<compile_context>
chip_gen: v7x
topology: tpu7x:2x2x1
jax: 0.10.2.dev20260603
libtpu: 0.0.44.dev20260713+nightly
codegen_flags: <defaults>
</compile_context>

<pallas_src>
import functools

import jax
import jax.numpy as jnp
from jax import lax
from jax.experimental import pallas as pl
from jax.experimental.pallas import tpu as pltpu
from jax.experimental.pallas import tpu_sc as plsc

B = 4096
L = 50
D = 64


def _sc_gather(table, hu_pages, nodes, utable):
    info = plsc.get_sparse_core_info()
    nw = info.num_cores * info.num_subcores
    ch = hu_pages.shape[2]
    bsz = nw * ch
    npw = bsz // nw

    @functools.partial(
        pl.kernel,
        mesh=plsc.VectorSubcoreMesh(core_axis_name="c", subcore_axis_name="s"),
        compiler_params=pltpu.CompilerParams(use_tc_tiling_on_sc=False),
        out_type=[
            jax.ShapeDtypeStruct((L * bsz, D), jnp.float32),
            jax.ShapeDtypeStruct((bsz, D), jnp.float32),
        ],
        scratch_types=[
            pltpu.VMEM((L, ch), jnp.int32),
            pltpu.VMEM((ch, D), jnp.float32),
            pltpu.VMEM((ch, D), jnp.float32),
            pltpu.VMEM((npw,), jnp.int32),
            pltpu.VMEM((npw, D), jnp.float32),
            pltpu.SemaphoreType.DMA,
            pltpu.SemaphoreType.DMA,
        ],
    )
    def k(table_hbm, hu_hbm, nodes_hbm, utable_hbm, out_hbm, uout_hbm,
          idxt_v, rb0, rb1, nidx_v, urows_v, sem0, sem1):
        wid = lax.axis_index("s") * info.num_cores + lax.axis_index("c")
        b0 = wid * ch

        pltpu.sync_copy(hu_hbm.at[wid], idxt_v)

        pltpu.async_copy(table_hbm.at[idxt_v.at[0]], rb0, sem0)

        def gbody(j, carry):
            l0 = 2 * j
            pltpu.async_copy(table_hbm.at[idxt_v.at[l0 + 1]], rb1, sem1)
            pltpu.make_async_copy(table_hbm.at[idxt_v.at[l0]], rb0, sem0).wait()
            pltpu.sync_copy(rb0, out_hbm.at[pl.ds(l0 * bsz + b0, ch)])

            @pl.when(j < (L // 2 - 1))
            def _():
                pltpu.async_copy(table_hbm.at[idxt_v.at[l0 + 2]], rb0, sem0)

            pltpu.make_async_copy(table_hbm.at[idxt_v.at[l0 + 1]], rb1,
                                  sem1).wait()
            pltpu.sync_copy(rb1, out_hbm.at[pl.ds((l0 + 1) * bsz + b0, ch)])
            return carry

        lax.fori_loop(0, L // 2, gbody, 0)

        pltpu.sync_copy(nodes_hbm.at[pl.ds(wid * npw, npw)], nidx_v)
        pltpu.async_copy(utable_hbm.at[nidx_v], urows_v, sem0).wait()
        pltpu.sync_copy(urows_v, uout_hbm.at[pl.ds(wid * npw, npw)])

    return k(table, hu_pages, nodes, utable)


def _bd(x):
    z = jnp.zeros((D, D), jnp.float32)
    return jnp.concatenate(
        [jnp.concatenate([x, z], axis=1), jnp.concatenate([z, x], axis=1)],
        axis=0)


def _tc_body(g_ref, hrp_ref, u_ref, r2e_ref, W1_ref, b1_ref, W2_ref, b2_ref,
             A1_ref, a1b_ref, A2_ref, a2b_ref, A3_ref, out_ref):
    bp = out_ref.shape[0]
    r = L * bp
    dn = (((1,), (1,)), ((), ()))
    f32 = jnp.float32

    lane = lax.broadcasted_iota(jnp.int32, (2, 2 * D), 1)
    half = lax.broadcasted_iota(jnp.int32, (2, 2 * D), 0)
    Sm = jnp.where((lane < D) == (half == 0), 1.0, 0.0).astype(f32)

    r_tab = lax.dot_general(r2e_ref[...], W1_ref[:, D:], dn,
                            preferred_element_type=f32) + b1_ref[...]
    z5 = jnp.zeros((5, D), f32)
    Rt = jnp.concatenate(
        [jnp.concatenate([r_tab, z5], axis=1),
         jnp.concatenate([z5, r_tab], axis=1)], axis=0)
    col = lax.broadcasted_iota(jnp.int32, (2, 10), 1)
    hh = lax.broadcasted_iota(jnp.int32, (2, 10), 0)
    E = jnp.where((col < 5) == (hh == 0), 1.0, 0.0).astype(f32)
    rvals = jnp.where(col[:1] < 5, col[:1], col[:1] - 5).astype(f32)
    hf = jnp.transpose(hrp_ref[...].astype(f32), (2, 0, 1)).reshape(r, 2)
    hrep = lax.dot_general(hf, E, (((1,), (0,)), ((), ())),
                           preferred_element_type=f32)
    oh = jnp.where(hrep == rvals, 1.0, 0.0).astype(f32)
    rc = lax.dot_general(oh, Rt, (((1,), (0,)), ((), ())),
                         preferred_element_type=f32)

    gf = g_ref[...].reshape(r, 2 * D)
    x1 = jnp.maximum(
        lax.dot_general(gf, _bd(W1_ref[:, :D]), dn, preferred_element_type=f32)
        + rc, 0.0)
    b2d = jnp.concatenate([b2_ref[...], b2_ref[...]], axis=1)
    oh_ = jnp.maximum(
        lax.dot_general(x1, _bd(W2_ref[...]), dn, preferred_element_type=f32)
        + b2d, 0.0)

    p = lax.dot_general(oh_, _bd(A1_ref[:, :D]), dn, preferred_element_type=f32)
    a1bd = jnp.concatenate([a1b_ref[...], a1b_ref[...]], axis=1)
    uc = lax.dot_general(u_ref[...], _bd(A1_ref[:, D:]), dn,
                         preferred_element_type=f32) + a1bd
    a1 = jnp.maximum(p.reshape(L, bp, 2 * D) + uc[None], 0.0)
    a2bd = jnp.concatenate([a2b_ref[...], a2b_ref[...]], axis=1)
    a2 = jnp.maximum(
        lax.dot_general(a1.reshape(r, 2 * D), _bd(A2_ref[...]), dn,
                        preferred_element_type=f32) + a2bd, 0.0)

    A3d = jnp.concatenate([A3_ref[...], A3_ref[...]], axis=1)
    t2 = lax.dot_general(a2 * A3d, Sm, dn, preferred_element_type=f32)
    t3 = t2.reshape(L, bp, 2)
    m = jnp.max(t3, axis=0, keepdims=True)
    e = jnp.exp(t3 - m)
    w3 = e / jnp.sum(e, axis=0, keepdims=True)
    wf = lax.dot_general(w3.reshape(r, 2), Sm, (((1,), (0,)), ((), ())),
                         preferred_element_type=f32)
    out_ref[...] = jnp.sum((oh_ * wf).reshape(L, bp, 2 * D), axis=0)


def _tc_compute(g2, hrp, urep2, r2e_w, W1, b1, W2, b2, A1, a1b, A2, a2b, A3):
    bp = 128
    pairs = g2.shape[1]
    grid = pairs // bp
    full = lambda shape: pl.BlockSpec(shape, lambda i: tuple(0 for _ in shape))
    return pl.pallas_call(
        _tc_body,
        grid=(grid,),
        in_specs=[
            pl.BlockSpec((L, bp, 2 * D), lambda i: (0, i, 0)),
            pl.BlockSpec((bp, 2, L), lambda i: (i, 0, 0)),
            pl.BlockSpec((bp, 2 * D), lambda i: (i, 0)),
            full((5, D)),
            full((D, 2 * D)),
            full((1, D)),
            full((D, D)),
            full((1, D)),
            full((D, 2 * D)),
            full((1, D)),
            full((D, D)),
            full((1, D)),
            full((1, D)),
        ],
        out_specs=pl.BlockSpec((bp, 2 * D), lambda i: (i, 0)),
        out_shape=jax.ShapeDtypeStruct((pairs, 2 * D), jnp.float32),
    )(g2, hrp, urep2, r2e_w, W1, b1, W2, b2, A1, a1b, A2, a2b, A3)


def kernel(nodes, history_uv, history_r, history_uvt, v2e_w, u2e_w, r2e_w,
           t2e_w, W1, b1, W2, b2, A1, a1b, A2, a2b, A3, a3b):
    del history_uvt, t2e_w, a3b
    info = plsc.get_sparse_core_info()
    nw = info.num_cores * info.num_subcores
    nc = 4
    bsz = B // nc
    ch = bsz // nw
    hu_i = history_uv.astype(jnp.int32)
    hr_i = history_r.astype(jnp.int32)
    nodes_i = nodes.astype(jnp.int32)
    outs = []
    for c in range(nc):
        sl = slice(c * bsz, (c + 1) * bsz)
        hu_pages = jnp.transpose(hu_i[sl]) \
            .reshape(L, nw, ch).transpose(1, 0, 2)
        e_uv_flat, urep = _sc_gather(v2e_w, hu_pages, nodes_i[sl], u2e_w)
        g2 = e_uv_flat.reshape(L, bsz // 2, 2 * D)
        hrp = hr_i[sl].reshape(bsz // 2, 2, L)
        urep2 = urep.reshape(bsz // 2, 2 * D)
        outs.append(_tc_compute(
            g2, hrp, urep2, r2e_w, W1,
            b1.reshape(1, D), W2, b2.reshape(1, D),
            A1, a1b.reshape(1, D), A2, a2b.reshape(1, D), A3))
    return jnp.concatenate(outs, axis=0).reshape(B, D)

# --- scband reference (transcript-rebuilt; emitter-appended) ---
"""Pipeline reference for scband-uv-aggregator-90829968376430 (READ-ONLY COPY).

The authoritative reference and input builder live on the scoring server;
editing this copy changes nothing except your own understanding.
"""

import jax, jax.numpy as jnp
import numpy as np

B = 4096; L = 50; D = 64
NV = 100000; NU = 100000; NR = 5; NT = 512

def setup_inputs(seed: int = 0) -> dict:
    key = jax.random.key(seed)
    ks = jax.random.split(key, 20)
    inp = {}
    inp['nodes'] = jax.random.randint(ks[0], (B,), 0, NU)
    inp['history_uv'] = jax.random.randint(ks[1], (B, L), 0, NV)
    inp['history_r'] = jax.random.randint(ks[2], (B, L), 0, NR)
    inp['history_uvt'] = jax.random.randint(ks[3], (B, L), 0, NT)
    # learned embedding tables
    inp['v2e_w'] = jax.random.normal(ks[4], (NV, D), dtype=jnp.float32) * 0.1
    inp['u2e_w'] = jax.random.normal(ks[5], (NU, D), dtype=jnp.float32) * 0.1
    inp['r2e_w'] = jax.random.normal(ks[6], (NR, D), dtype=jnp.float32) * 0.1
    inp['t2e_w'] = jax.random.normal(ks[7], (NT, D), dtype=jnp.float32) * 0.1
    # w_r1: Linear(2D -> D), w_r2: Linear(D -> D)
    inp['W1'] = jax.random.normal(ks[8], (D, 2 * D), dtype=jnp.float32) * 0.05
    inp['b1'] = jax.random.normal(ks[9], (D,), dtype=jnp.float32) * 0.01
    inp['W2'] = jax.random.normal(ks[10], (D, D), dtype=jnp.float32) * 0.05
    inp['b2'] = jax.random.normal(ks[11], (D,), dtype=jnp.float32) * 0.01
    # Attention (GraphRec style): att1: 2D->D, att2: D->D, att3: D->1
    inp['A1'] = jax.random.normal(ks[12], (D, 2 * D), dtype=jnp.float32) * 0.05
    inp['a1b'] = jax.random.normal(ks[13], (D,), dtype=jnp.float32) * 0.01
    inp['A2'] = jax.random.normal(ks[14], (D, D), dtype=jnp.float32) * 0.05
    inp['a2b'] = jax.random.normal(ks[15], (D,), dtype=jnp.float32) * 0.01
    inp['A3'] = jax.random.normal(ks[16], (1, D), dtype=jnp.float32) * 0.05
    inp['a3b'] = jax.random.normal(ks[17], (1,), dtype=jnp.float32) * 0.01
    return inp

def reference(nodes, history_uv, history_r, history_uvt, v2e_w, u2e_w, r2e_w, t2e_w, W1, b1, W2, b2, A1, a1b, A2, a2b, A3, a3b):
    # Config assumed: temporal=False, long_short='long', sample_model=False, eval mode (dropout off).
    # The per-sample python loop is vectorized over the batch dimension (same math).
    e_uv = jnp.take(v2e_w, history_uv, axis=0)        # [B, L, D] item gather (uv=True)
    uv_rep = jnp.take(u2e_w, nodes, axis=0)           # [B, D]    user gather
    e_r = jnp.take(r2e_w, history_r, axis=0)          # [B, L, D] rating gather
    e_t = jnp.take(t2e_w, history_uvt, axis=0)        # [B, L, D] gathered but unused in long/non-temporal path
    x = jnp.concatenate([e_uv, e_r], axis=-1)         # [B, L, 2D]
    x = jax.nn.relu(x @ W1.T + b1)                    # w_r1
    o_history = jax.nn.relu(x @ W2.T + b2)            # w_r2 -> [B, L, D]
    uv_reps = jnp.broadcast_to(uv_rep[:, None, :], o_history.shape)
    a = jnp.concatenate([o_history, uv_reps], axis=-1)
    a = jax.nn.relu(a @ A1.T + a1b)
    a = jax.nn.relu(a @ A2.T + a2b)
    a = a @ A3.T + a3b                                # [B, L, 1]
    att_w = jax.nn.softmax(a, axis=1)                 # softmax over history per sample
    att_history = jnp.sum(o_history * att_w, axis=1)  # == (o_history.T @ att_w).T per sample -> [B, D]
    return att_history

if __name__ == "__main__":
    import jax
    _d = setup_inputs()
    print(jax.jit(kernel)(*tuple(_d.values())))

</pallas_src>

<mosaic_0001>
#map = affine_map<(d0, d1) -> (0, 0)>
#map1 = affine_map<(d0, d1) -> (0, 0, 0)>
#map2 = affine_map<(d0, d1) -> (0)>
module attributes {stable_mosaic.version = 14 : i64} {
  func.func @k(%arg0: i32, %arg1: i32, %arg2: memref<100000x64xf32, #tpu.memory_space<hbm>>, %arg3: memref<32x50x32xi32, #tpu.memory_space<hbm>>, %arg4: memref<1024xi32, #tpu.memory_space<hbm>>, %arg5: memref<100000x64xf32, #tpu.memory_space<hbm>>, %arg6: memref<51200x64xf32, #tpu.memory_space<hbm>>, %arg7: memref<1024x64xf32, #tpu.memory_space<hbm>>, %arg8: memref<50x32xi32, #tpu.memory_space<vmem>>, %arg9: memref<32x64xf32, #tpu.memory_space<vmem>>, %arg10: memref<32x64xf32, #tpu.memory_space<vmem>>, %arg11: memref<32xi32, #tpu.memory_space<vmem>>, %arg12: memref<32x64xf32, #tpu.memory_space<vmem>>, %arg13: memref<!tpu.dma_semaphore, #tpu.memory_space<semaphore_mem>>, %arg14: memref<!tpu.dma_semaphore, #tpu.memory_space<semaphore_mem>>) attributes {dimension_semantics = [#tpu.dimension_semantics<core_parallel>, #tpu.dimension_semantics<subcore_parallel>], iteration_bounds = array<i64: 2, 16>, scalar_prefetch = 0 : i64, scratch_operands = 7 : i64, tpu.core_type = #tpu.core_type<sc_vector_subcore>, window_params = [{transform_indices = #map}, {transform_indices = #map1}, {transform_indices = #map2}, {transform_indices = #map}, {transform_indices = #map}, {transform_indices = #map}]} {
    %mul3A = arith.constant 2 : i32
    %mul3A_0 = arith.muli %arg1, %mul3A : i32
    %add3A = arith.addi %mul3A_0, %arg0 : i32
    %mul3A_1 = arith.constant 32 : i32
    %mul3A_2 = arith.muli %add3A, %mul3A_1 : i32
    "tpu.region"() ({
      %run_scoped3A = tpu.sem_alloc : memref<!tpu.dma_semaphore, #tpu.memory_space<semaphore_mem>>
      %dma_start3A_23 = arith.constant 0 : i32
      %dma_start3A_24 = arith.constant 0 : i32
      %dma_start3A_25 = tpu.memref_slice %arg3[%add3A, %dma_start3A_23, %dma_start3A_24] : memref<32x50x32xi32, #tpu.memory_space<hbm>> -> memref<1x50x32xi32, #tpu.memory_space<hbm>>
      %dma_start3A_26 = tpu.memref_squeeze %dma_start3A_25 : memref<1x50x32xi32, #tpu.memory_space<hbm>> -> memref<50x32xi32, #tpu.memory_space<hbm>>
      %dma_start3A_27 = arith.constant 0 : i32
      %dma_start3A_28 = arith.constant 0 : i32
      %dma_start3A_29 = tpu.memref_slice %arg3[%add3A, %dma_start3A_27, %dma_start3A_28] : memref<32x50x32xi32, #tpu.memory_space<hbm>> -> memref<1x50x32xi32, #tpu.memory_space<hbm>>
      %dma_start3A_30 = tpu.memref_squeeze %dma_start3A_29 : memref<1x50x32xi32, #tpu.memory_space<hbm>> -> memref<50x32xi32, #tpu.memory_space<hbm>>
      tpu.enqueue_dma source(%dma_start3A_30 : memref<50x32xi32, #tpu.memory_space<hbm>>) target(%arg8 : memref<50x32xi32, #tpu.memory_space<vmem>>) target_semaphore(%run_scoped3A : memref<!tpu.dma_semaphore, #tpu.memory_space<semaphore_mem>>)
      %dma_wait3A_31 = arith.constant 0 : i32
      %dma_wait3A_32 = arith.constant 0 : i32
      %dma_wait3A_33 = tpu.memref_slice %arg3[%add3A, %dma_wait3A_31, %dma_wait3A_32] : memref<32x50x32xi32, #tpu.memory_space<hbm>> -> memref<1x50x32xi32, #tpu.memory_space<hbm>>
      %dma_wait3A_34 = tpu.memref_squeeze %dma_wait3A_33 : memref<1x50x32xi32, #tpu.memory_space<hbm>> -> memref<50x32xi32, #tpu.memory_space<hbm>>
      %dma_wait3A_35 = arith.constant 0 : i32
      %dma_wait3A_36 = arith.constant 0 : i32
      %dma_wait3A_37 = tpu.memref_slice %arg3[%add3A, %dma_wait3A_35, %dma_wait3A_36] : memref<32x50x32xi32, #tpu.memory_space<hbm>> -> memref<1x50x32xi32, #tpu.memory_space<hbm>>
      %dma_wait3A_38 = tpu.memref_squeeze %dma_wait3A_37 : memref<1x50x32xi32, #tpu.memory_space<hbm>> -> memref<50x32xi32, #tpu.memory_space<hbm>>
      tpu.wait_dma2 semaphore(%run_scoped3A : memref<!tpu.dma_semaphore, #tpu.memory_space<semaphore_mem>>) src(%dma_wait3A_38 : memref<50x32xi32, #tpu.memory_space<hbm>>) dst(%arg8 : memref<50x32xi32, #tpu.memory_space<vmem>>)
      tpu.yield
    }) : () -> ()
    %dma_start3A = arith.constant 0 : i32
    %dma_start3A_3 = arith.constant 0 : i32
    %dma_start3A_4 = tpu.memref_slice %arg8[%dma_start3A, %dma_start3A_3] : memref<50x32xi32, #tpu.memory_space<vmem>> -> memref<1x32xi32, #tpu.memory_space<vmem>>
    %dma_start3A_5 = tpu.memref_squeeze %dma_start3A_4 : memref<1x32xi32, #tpu.memory_space<vmem>> -> memref<32xi32, #tpu.memory_space<vmem>>
    %dma_start3A_6 = arith.constant 0 : i32
    %dma_start3A_7 = arith.constant 0 : i32
    %dma_start3A_8 = tpu.memref_slice %arg2[%dma_start3A_6, %dma_start3A_7] : memref<100000x64xf32, #tpu.memory_space<hbm>> -> memref<100000x64xf32, #tpu.memory_space<hbm>>
    tpu.enqueue_indirect_dma source(%dma_start3A_8 : memref<100000x64xf32, #tpu.memory_space<hbm>>) target(%arg9 : memref<32x64xf32, #tpu.memory_space<vmem>>) offsets(%dma_start3A_5 : memref<32xi32, #tpu.memory_space<vmem>>) semaphore(%arg13 : memref<!tpu.dma_semaphore, #tpu.memory_space<semaphore_mem>>)
    %scan3A = arith.constant 0 : i32
    %scan3A_9 = arith.constant 0 : i32
    %scan3A_10 = arith.constant 25 : i32
    %scan3A_11 = arith.addi %scan3A_9, %scan3A_10 : i32
    %scan3A_12 = arith.constant 1 : i32
    scf.for %scan3A_23 = %scan3A_9 to %scan3A_11 step %scan3A_12  : i32 {
      %mul3A_24 = arith.constant 2 : i32
      %mul3A_25 = arith.muli %mul3A_24, %scan3A_23 : i32
      %add3A_26 = arith.constant 1 : i32
      %add3A_27 = arith.addi %mul3A_25, %add3A_26 : i32
      %dma_start3A_28 = arith.constant 0 : i32
      %dma_start3A_29 = tpu.memref_slice %arg8[%add3A_27, %dma_start3A_28] : memref<50x32xi32, #tpu.memory_space<vmem>> -> memref<1x32xi32, #tpu.memory_space<vmem>>
      %dma_start3A_30 = tpu.memref_squeeze %dma_start3A_29 : memref<1x32xi32, #tpu.memory_space<vmem>> -> memref<32xi32, #tpu.memory_space<vmem>>
      %dma_start3A_31 = arith.constant 0 : i32
      %dma_start3A_32 = arith.constant 0 : i32
      %dma_start3A_33 = tpu.memref_slice %arg2[%dma_start3A_31, %dma_start3A_32] : memref<100000x64xf32, #tpu.memory_space<hbm>> -> memref<100000x64xf32, #tpu.memory_space<hbm>>
      tpu.enqueue_indirect_dma source(%dma_start3A_33 : memref<100000x64xf32, #tpu.memory_space<hbm>>) target(%arg10 : memref<32x64xf32, #tpu.memory_space<vmem>>) offsets(%dma_start3A_30 : memref<32xi32, #tpu.memory_space<vmem>>) semaphore(%arg14 : memref<!tpu.dma_semaphore, #tpu.memory_space<semaphore_mem>>)
      %dma_wait3A_34 = arith.constant 0 : i32
      %dma_wait3A_35 = tpu.memref_slice %arg8[%mul3A_25, %dma_wait3A_34] : memref<50x32xi32, #tpu.memory_space<vmem>> -> memref<1x32xi32, #tpu.memory_space<vmem>>
      %dma_wait3A_36 = tpu.memref_squeeze %dma_wait3A_35 : memref<1x32xi32, #tpu.memory_space<vmem>> -> memref<32xi32, #tpu.memory_space<vmem>>
      %dma_wait3A_37 = arith.constant 0 : i32
      %dma_wait3A_38 = arith.constant 0 : i32
      %dma_wait3A_39 = tpu.memref_slice %arg2[%dma_wait3A_37, %dma_wait3A_38] : memref<100000x64xf32, #tpu.memory_space<hbm>> -> memref<100000x64xf32, #tpu.memory_space<hbm>>
      tpu.wait_indirect_dma semaphore(%arg13 : memref<!tpu.dma_semaphore, #tpu.memory_space<semaphore_mem>>) src(%dma_wait3A_39 : memref<100000x64xf32, #tpu.memory_space<hbm>>) dst(%arg9 : memref<32x64xf32, #tpu.memory_space<vmem>>)
      %mul3A_40 = arith.constant 1024 : i32
      %mul3A_41 = arith.muli %mul3A_25, %mul3A_40 : i32
      %add3A_42 = arith.addi %mul3A_41, %mul3A_2 : i32
      "tpu.region"() ({
        %run_scoped3A = tpu.sem_alloc : memref<!tpu.dma_semaphore, #tpu.memory_space<semaphore_mem>>
        %dma_start3A_58 = arith.constant 0 : i32
        %dma_start3A_59 = tpu.memref_slice %arg6[%add3A_42, %dma_start3A_58] : memref<51200x64xf32, #tpu.memory_space<hbm>> -> memref<32x64xf32, #tpu.memory_space<hbm>>
        %dma_start3A_60 = arith.constant 0 : i32
        %dma_start3A_61 = tpu.memref_slice %arg6[%add3A_42, %dma_start3A_60] : memref<51200x64xf32, #tpu.memory_space<hbm>> -> memref<32x64xf32, #tpu.memory_space<hbm>>
        tpu.enqueue_dma source(%arg9 : memref<32x64xf32, #tpu.memory_space<vmem>>) target(%dma_start3A_61 : memref<32x64xf32, #tpu.memory_space<hbm>>) target_semaphore(%run_scoped3A : memref<!tpu.dma_semaphore, #tpu.memory_space<semaphore_mem>>)
        %dma_wait3A_62 = arith.constant 0 : i32
        %dma_wait3A_63 = tpu.memref_slice %arg6[%add3A_42, %dma_wait3A_62] : memref<51200x64xf32, #tpu.memory_space<hbm>> -> memref<32x64xf32, #tpu.memory_space<hbm>>
        %dma_wait3A_64 = arith.constant 0 : i32
        %dma_wait3A_65 = tpu.memref_slice %arg6[%add3A_42, %dma_wait3A_64] : memref<51200x64xf32, #tpu.memory_space<hbm>> -> memref<32x64xf32, #tpu.memory_space<hbm>>
        tpu.wait_dma2 semaphore(%run_scoped3A : memref<!tpu.dma_semaphore, #tpu.memory_space<semaphore_mem>>) src(%arg9 : memref<32x64xf32, #tpu.memory_space<vmem>>) dst(%dma_wait3A_65 : memref<32x64xf32, #tpu.memory_space<hbm>>)
        tpu.yield
      }) : () -> ()
      %lt3A = arith.constant 24 : i32
      %lt3A_43 = arith.cmpi slt, %scan3A_23, %lt3A : i32
      %convert_element_type3A = arith.extui %lt3A_43 : i1 to i32
      %cond3A = arith.constant 0 : i32
      %cond3A_44 = arith.cmpi ne, %convert_element_type3A, %cond3A : i32
      scf.if %cond3A_44 {
        %add3A_58 = arith.constant 2 : i32
        %add3A_59 = arith.addi %mul3A_25, %add3A_58 : i32
        %dma_start3A_60 = arith.constant 0 : i32
        %dma_start3A_61 = tpu.memref_slice %arg8[%add3A_59, %dma_start3A_60] : memref<50x32xi32, #tpu.memory_space<vmem>> -> memref<1x32xi32, #tpu.memory_space<vmem>>
        %dma_start3A_62 = tpu.memref_squeeze %dma_start3A_61 : memref<1x32xi32, #tpu.memory_space<vmem>> -> memref<32xi32, #tpu.memory_space<vmem>>
        %dma_start3A_63 = arith.constant 0 : i32
        %dma_start3A_64 = arith.constant 0 : i32
        %dma_start3A_65 = tpu.memref_slice %arg2[%dma_start3A_63, %dma_start3A_64] : memref<100000x64xf32, #tpu.memory_space<hbm>> -> memref<100000x64xf32, #tpu.memory_space<hbm>>
        tpu.enqueue_indirect_dma source(%dma_start3A_65 : memref<100000x64xf32, #tpu.memory_space<hbm>>) target(%arg9 : memref<32x64xf32, #tpu.memory_space<vmem>>) offsets(%dma_start3A_62 : memref<32xi32, #tpu.memory_space<vmem>>) semaphore(%arg13 : memref<!tpu.dma_semaphore, #tpu.memory_space<semaphore_mem>>)
      } else {
      }
      %add3A_45 = arith.constant 1 : i32
      %add3A_46 = arith.addi %mul3A_25, %add3A_45 : i32
      %dma_wait3A_47 = arith.constant 0 : i32
      %dma_wait3A_48 = tpu.memref_slice %arg8[%add3A_46, %dma_wait3A_47] : memref<50x32xi32, #tpu.memory_space<vmem>> -> memref<1x32xi32, #tpu.memory_space<vmem>>
      %dma_wait3A_49 = tpu.memref_squeeze %dma_wait3A_48 : memref<1x32xi32, #tpu.memory_space<vmem>> -> memref<32xi32, #tpu.memory_space<vmem>>
      %dma_wait3A_50 = arith.constant 0 : i32
      %dma_wait3A_51 = arith.constant 0 : i32
      %dma_wait3A_52 = tpu.memref_slice %arg2[%dma_wait3A_50, %dma_wait3A_51] : memref<100000x64xf32, #tpu.memory_space<hbm>> -> memref<100000x64xf32, #tpu.memory_space<hbm>>
      tpu.wait_indirect_dma semaphore(%arg14 : memref<!tpu.dma_semaphore, #tpu.memory_space<semaphore_mem>>) src(%dma_wait3A_52 : memref<100000x64xf32, #tpu.memory_space<hbm>>) dst(%arg10 : memref<32x64xf32, #tpu.memory_space<vmem>>)
      %add3A_53 = arith.constant 1 : i32
      %add3A_54 = arith.addi %mul3A_25, %add3A_53 : i32
      %mul3A_55 = arith.constant 1024 : i32
      %mul3A_56 = arith.muli %add3A_54, %mul3A_55 : i32
      %add3A_57 = arith.addi %mul3A_56, %mul3A_2 : i32
      "tpu.region"() ({
        %run_scoped3A = tpu.sem_alloc : memref<!tpu.dma_semaphore, #tpu.memory_space<semaphore_mem>>
        %dma_start3A_58 = arith.constant 0 : i32
        %dma_start3A_59 = tpu.memref_slice %arg6[%add3A_57, %dma_start3A_58] : memref<51200x64xf32, #tpu.memory_space<hbm>> -> memref<32x64xf32, #tpu.memory_space<hbm>>
        %dma_start3A_60 = arith.constant 0 : i32
        %dma_start3A_61 = tpu.memref_slice %arg6[%add3A_57, %dma_start3A_60] : memref<51200x64xf32, #tpu.memory_space<hbm>> -> memref<32x64xf32, #tpu.memory_space<hbm>>
        tpu.enqueue_dma source(%arg10 : memref<32x64xf32, #tpu.memory_space<vmem>>) target(%dma_start3A_61 : memref<32x64xf32, #tpu.memory_space<hbm>>) target_semaphore(%run_scoped3A : memref<!tpu.dma_semaphore, #tpu.memory_space<semaphore_mem>>)
        %dma_wait3A_62 = arith.constant 0 : i32
        %dma_wait3A_63 = tpu.memref_slice %arg6[%add3A_57, %dma_wait3A_62] : memref<51200x64xf32, #tpu.memory_space<hbm>> -> memref<32x64xf32, #tpu.memory_space<hbm>>
        %dma_wait3A_64 = arith.constant 0 : i32
        %dma_wait3A_65 = tpu.memref_slice %arg6[%add3A_57, %dma_wait3A_64] : memref<51200x64xf32, #tpu.memory_space<hbm>> -> memref<32x64xf32, #tpu.memory_space<hbm>>
        tpu.wait_dma2 semaphore(%run_scoped3A : memref<!tpu.dma_semaphore, #tpu.memory_space<semaphore_mem>>) src(%arg10 : memref<32x64xf32, #tpu.memory_space<vmem>>) dst(%dma_wait3A_65 : memref<32x64xf32, #tpu.memory_space<hbm>>)
        tpu.yield
      }) : () -> ()
    }
    %scan3A_13 = arith.constant 25 : i32
    %mul3A_14 = arith.constant 32 : i32
    %mul3A_15 = arith.muli %add3A, %mul3A_14 : i32
    "tpu.region"() ({
      %run_scoped3A = tpu.sem_alloc : memref<!tpu.dma_semaphore, #tpu.memory_space<semaphore_mem>>
      %dma_start3A_23 = tpu.memref_slice %arg4[%mul3A_15] : memref<1024xi32, #tpu.memory_space<hbm>> -> memref<32xi32, #tpu.memory_space<hbm>>
      %dma_start3A_24 = tpu.memref_slice %arg4[%mul3A_15] : memref<1024xi32, #tpu.memory_space<hbm>> -> memref<32xi32, #tpu.memory_space<hbm>>
      tpu.enqueue_dma source(%dma_start3A_24 : memref<32xi32, #tpu.memory_space<hbm>>) target(%arg11 : memref<32xi32, #tpu.memory_space<vmem>>) target_semaphore(%run_scoped3A : memref<!tpu.dma_semaphore, #tpu.memory_space<semaphore_mem>>)
      %dma_wait3A_25 = tpu.memref_slice %arg4[%mul3A_15] : memref<1024xi32, #tpu.memory_space<hbm>> -> memref<32xi32, #tpu.memory_space<hbm>>
      %dma_wait3A_26 = tpu.memref_slice %arg4[%mul3A_15] : memref<1024xi32, #tpu.memory_space<hbm>> -> memref<32xi32, #tpu.memory_space<hbm>>
      tpu.wait_dma2 semaphore(%run_scoped3A : memref<!tpu.dma_semaphore, #tpu.memory_space<semaphore_mem>>) src(%dma_wait3A_26 : memref<32xi32, #tpu.memory_space<hbm>>) dst(%arg11 : memref<32xi32, #tpu.memory_space<vmem>>)
      tpu.yield
    }) : () -> ()
    %dma_start3A_16 = arith.constant 0 : i32
    %dma_start3A_17 = arith.constant 0 : i32
    %dma_start3A_18 = tpu.memref_slice %arg5[%dma_start3A_16, %dma_start3A_17] : memref<100000x64xf32, #tpu.memory_space<hbm>> -> memref<100000x64xf32, #tpu.memory_space<hbm>>
    tpu.enqueue_indirect_dma source(%dma_start3A_18 : memref<100000x64xf32, #tpu.memory_space<hbm>>) target(%arg12 : memref<32x64xf32, #tpu.memory_space<vmem>>) offsets(%arg11 : memref<32xi32, #tpu.memory_space<vmem>>) semaphore(%arg13 : memref<!tpu.dma_semaphore, #tpu.memory_space<semaphore_mem>>)
    %dma_wait3A = arith.constant 0 : i32
    %dma_wait3A_19 = arith.constant 0 : i32
    %dma_wait3A_20 = tpu.memref_slice %arg5[%dma_wait3A, %dma_wait3A_19] : memref<100000x64xf32, #tpu.memory_space<hbm>> -> memref<100000x64xf32, #tpu.memory_space<hbm>>
    tpu.wait_indirect_dma semaphore(%arg13 : memref<!tpu.dma_semaphore, #tpu.memory_space<semaphore_mem>>) src(%dma_wait3A_20 : memref<100000x64xf32, #tpu.memory_space<hbm>>) dst(%arg12 : memref<32x64xf32, #tpu.memory_space<vmem>>)
    %mul3A_21 = arith.constant 32 : i32
    %mul3A_22 = arith.muli %add3A, %mul3A_21 : i32
    "tpu.region"() ({
      %run_scoped3A = tpu.sem_alloc : memref<!tpu.dma_semaphore, #tpu.memory_space<semaphore_mem>>
      %dma_start3A_23 = arith.constant 0 : i32
      %dma_start3A_24 = tpu.memref_slice %arg7[%mul3A_22, %dma_start3A_23] : memref<1024x64xf32, #tpu.memory_space<hbm>> -> memref<32x64xf32, #tpu.memory_space<hbm>>
      %dma_start3A_25 = arith.constant 0 : i32
      %dma_start3A_26 = tpu.memref_slice %arg7[%mul3A_22, %dma_start3A_25] : memref<1024x64xf32, #tpu.memory_space<hbm>> -> memref<32x64xf32, #tpu.memory_space<hbm>>
      tpu.enqueue_dma source(%arg12 : memref<32x64xf32, #tpu.memory_space<vmem>>) target(%dma_start3A_26 : memref<32x64xf32, #tpu.memory_space<hbm>>) target_semaphore(%run_scoped3A : memref<!tpu.dma_semaphore, #tpu.memory_space<semaphore_mem>>)
      %dma_wait3A_27 = arith.constant 0 : i32
      %dma_wait3A_28 = tpu.memref_slice %arg7[%mul3A_22, %dma_wait3A_27] : memref<1024x64xf32, #tpu.memory_space<hbm>> -> memref<32x64xf32, #tpu.memory_space<hbm>>
      %dma_wait3A_29 = arith.constant 0 : i32
      %dma_wait3A_30 = tpu.memref_slice %arg7[%mul3A_22, %dma_wait3A_29] : memref<1024x64xf32, #tpu.memory_space<hbm>> -> memref<32x64xf32, #tpu.memory_space<hbm>>
      tpu.wait_dma2 semaphore(%run_scoped3A : memref<!tpu.dma_semaphore, #tpu.memory_space<semaphore_mem>>) src(%arg12 : memref<32x64xf32, #tpu.memory_space<vmem>>) dst(%dma_wait3A_30 : memref<32x64xf32, #tpu.memory_space<hbm>>)
      tpu.yield
    }) : () -> ()
    return
  }
}

#map = affine_map<(d0, d1) -> (0, 0)>
#map1 = affine_map<(d0, d1) -> (0, 0, 0)>
#map2 = affine_map<(d0, d1) -> (0)>
module attributes {stable_mosaic.version = 14 : i64} {
  func.func @k(%arg0: i32, %arg1: i32, %arg2: memref<100000x64xf32, #tpu.memory_space<hbm>>, %arg3: memref<32x50x32xi32, #tpu.memory_space<hbm>>, %arg4: memref<1024xi32, #tpu.memory_space<hbm>>, %arg5: memref<100000x64xf32, #tpu.memory_space<hbm>>, %arg6: memref<51200x64xf32, #tpu.memory_space<hbm>>, %arg7: memref<1024x64xf32, #tpu.memory_space<hbm>>, %arg8: memref<50x32xi32, #tpu.memory_space<vmem>>, %arg9: memref<32x64xf32, #tpu.memory_space<vmem>>, %arg10: memref<32x64xf32, #tpu.memory_space<vmem>>, %arg11: memref<32xi32, #tpu.memory_space<vmem>>, %arg12: memref<32x64xf32, #tpu.memory_space<vmem>>, %arg13: memref<!tpu.dma_semaphore, #tpu.memory_space<semaphore_mem>>, %arg14: memref<!tpu.dma_semaphore, #tpu.memory_space<semaphore_mem>>) attributes {dimension_semantics = [#tpu.dimension_semantics<core_parallel>, #tpu.dimension_semantics<subcore_parallel>], iteration_bounds = array<i64: 2, 16>, scalar_prefetch = 0 : i64, scratch_operands = 7 : i64, tpu.core_type = #tpu.core_type<sc_vector_subcore>, window_params = [{transform_indices = #map}, {transform_indices = #map1}, {transform_indices = #map2}, {transform_indices = #map}, {transform_indices = #map}, {transform_indices = #map}]} {
    %mul3A = arith.constant 2 : i32
    %mul3A_0 = arith.muli %arg1, %mul3A : i32
    %add3A = arith.addi %mul3A_0, %arg0 : i32
    %mul3A_1 = arith.constant 32 : i32
    %mul3A_2 = arith.muli %add3A, %mul3A_1 : i32
    "tpu.region"() ({
      %run_scoped3A = tpu.sem_alloc : memref<!tpu.dma_semaphore, #tpu.memory_space<semaphore_mem>>
      %dma_start3A_23 = arith.constant 0 : i32
      %dma_start3A_24 = arith.constant 0 : i32
      %dma_start3A_25 = tpu.memref_slice %arg3[%add3A, %dma_start3A_23, %dma_start3A_24] : memref<32x50x32xi32, #tpu.memory_space<hbm>> -> memref<1x50x32xi32, #tpu.memory_space<hbm>>
      %dma_start3A_26 = tpu.memref_squeeze %dma_start3A_25 : memref<1x50x32xi32, #tpu.memory_space<hbm>> -> memref<50x32xi32, #tpu.memory_space<hbm>>
      %dma_start3A_27 = arith.constant 0 : i32
      %dma_start3A_28 = arith.constant 0 : i32
      %dma_start3A_29 = tpu.memref_slice %arg3[%add3A, %dma_start3A_27, %dma_start3A_28] : memref<32x50x32xi32, #tpu.memory_space<hbm>> -> memref<1x50x32xi32, #tpu.memory_space<hbm>>
      %dma_start3A_30 = tpu.memref_squeeze %dma_start3A_29 : memref<1x50x32xi32, #tpu.memory_space<hbm>> -> memref<50x32xi32, #tpu.memory_space<hbm>>
      tpu.enqueue_dma source(%dma_start3A_30 : memref<50x32xi32, #tpu.memory_space<hbm>>) target(%arg8 : memref<50x32xi32, #tpu.memory_space<vmem>>) target_semaphore(%run_scoped3A : memref<!tpu.dma_semaphore, #tpu.memory_space<semaphore_mem>>)
      %dma_wait3A_31 = arith.constant 0 : i32
      %dma_wait3A_32 = arith.constant 0 : i32
      %dma_wait3A_33 = tpu.memref_slice %arg3[%add3A, %dma_wait3A_31, %dma_wait3A_32] : memref<32x50x32xi32, #tpu.memory_space<hbm>> -> memref<1x50x32xi32, #tpu.memory_space<hbm>>
      %dma_wait3A_34 = tpu.memref_squeeze %dma_wait3A_33 : memref<1x50x32xi32, #tpu.memory_space<hbm>> -> memref<50x32xi32, #tpu.memory_space<hbm>>
      %dma_wait3A_35 = arith.constant 0 : i32
      %dma_wait3A_36 = arith.constant 0 : i32
      %dma_wait3A_37 = tpu.memref_slice %arg3[%add3A, %dma_wait3A_35, %dma_wait3A_36] : memref<32x50x32xi32, #tpu.memory_space<hbm>> -> memref<1x50x32xi32, #tpu.memory_space<hbm>>
      %dma_wait3A_38 = tpu.memref_squeeze %dma_wait3A_37 : memref<1x50x32xi32, #tpu.memory_space<hbm>> -> memref<50x32xi32, #tpu.memory_space<hbm>>
      tpu.wait_dma2 semaphore(%run_scoped3A : memref<!tpu.dma_semaphore, #tpu.memory_space<semaphore_mem>>) src(%dma_wait3A_38 : memref<50x32xi32, #tpu.memory_space<hbm>>) dst(%arg8 : memref<50x32xi32, #tpu.memory_space<vmem>>)
      tpu.yield
    }) : () -> ()
    %dma_start3A = arith.constant 0 : i32
    %dma_start3A_3 = arith.constant 0 : i32
    %dma_start3A_4 = tpu.memref_slice %arg8[%dma_start3A, %dma_start3A_3] : memref<50x32xi32, #tpu.memory_space<vmem>> -> memref<1x32xi32, #tpu.memory_space<vmem>>
    %dma_start3A_5 = tpu.memref_squeeze %dma_start3A_4 : memref<1x32xi32, #tpu.memory_space<vmem>> -> memref<32xi32, #tpu.memory_space<vmem>>
    %dma_start3A_6 = arith.constant 0 : i32
    %dma_start3A_7 = arith.constant 0 : i32
    %dma_start3A_8 = tpu.memref_slice %arg2[%dma_start3A_6, %dma_start3A_7] : memref<100000x64xf32, #tpu.memory_space<hbm>> -> memref<100000x64xf32, #tpu.memory_space<hbm>>
    tpu.enqueue_indirect_dma source(%dma_start3A_8 : memref<100000x64xf32, #tpu.memory_space<hbm>>) target(%arg9 : memref<32x64xf32, #tpu.memory_space<vmem>>) offsets(%dma_start3A_5 : memref<32xi32, #tpu.memory_space<vmem>>) semaphore(%arg13 : memref<!tpu.dma_semaphore, #tpu.memory_space<semaphore_mem>>)
    %scan3A = arith.constant 0 : i32
    %scan3A_9 = arith.constant 0 : i32
    %scan3A_10 = arith.constant 25 : i32
    %scan3A_11 = arith.addi %scan3A_9, %scan3A_10 : i32
    %scan3A_12 = arith.constant 1 : i32
    scf.for %scan3A_23 = %scan3A_9 to %scan3A_11 step %scan3A_12  : i32 {
      %mul3A_24 = arith.constant 2 : i32
      %mul3A_25 = arith.muli %mul3A_24, %scan3A_23 : i32
      %add3A_26 = arith.constant 1 : i32
      %add3A_27 = arith.addi %mul3A_25, %add3A_26 : i32
      %dma_start3A_28 = arith.constant 0 : i32
      %dma_start3A_29 = tpu.memref_slice %arg8[%add3A_27, %dma_start3A_28] : memref<50x32xi32, #tpu.memory_space<vmem>> -> memref<1x32xi32, #tpu.memory_space<vmem>>
      %dma_start3A_30 = tpu.memref_squeeze %dma_start3A_29 : memref<1x32xi32, #tpu.memory_space<vmem>> -> memref<32xi32, #tpu.memory_space<vmem>>
      %dma_start3A_31 = arith.constant 0 : i32
      %dma_start3A_32 = arith.constant 0 : i32
      %dma_start3A_33 = tpu.memref_slice %arg2[%dma_start3A_31, %dma_start3A_32] : memref<100000x64xf32, #tpu.memory_space<hbm>> -> memref<100000x64xf32, #tpu.memory_space<hbm>>
      tpu.enqueue_indirect_dma source(%dma_start3A_33 : memref<100000x64xf32, #tpu.memory_space<hbm>>) target(%arg10 : memref<32x64xf32, #tpu.memory_space<vmem>>) offsets(%dma_start3A_30 : memref<32xi32, #tpu.memory_space<vmem>>) semaphore(%arg14 : memref<!tpu.dma_semaphore, #tpu.memory_space<semaphore_mem>>)
      %dma_wait3A_34 = arith.constant 0 : i32
      %dma_wait3A_35 = tpu.memref_slice %arg8[%mul3A_25, %dma_wait3A_34] : memref<50x32xi32, #tpu.memory_space<vmem>> -> memref<1x32xi32, #tpu.memory_space<vmem>>
      %dma_wait3A_36 = tpu.memref_squeeze %dma_wait3A_35 : memref<1x32xi32, #tpu.memory_space<vmem>> -> memref<32xi32, #tpu.memory_space<vmem>>
      %dma_wait3A_37 = arith.constant 0 : i32
      %dma_wait3A_38 = arith.constant 0 : i32
      %dma_wait3A_39 = tpu.memref_slice %arg2[%dma_wait3A_37, %dma_wait3A_38] : memref<100000x64xf32, #tpu.memory_space<hbm>> -> memref<100000x64xf32, #tpu.memory_space<hbm>>
      tpu.wait_indirect_dma semaphore(%arg13 : memref<!tpu.dma_semaphore, #tpu.memory_space<semaphore_mem>>) src(%dma_wait3A_39 : memref<100000x64xf32, #tpu.memory_space<hbm>>) dst(%arg9 : memref<32x64xf32, #tpu.memory_space<vmem>>)
      %mul3A_40 = arith.constant 1024 : i32
      %mul3A_41 = arith.muli %mul3A_25, %mul3A_40 : i32
      %add3A_42 = arith.addi %mul3A_41, %mul3A_2 : i32
      "tpu.region"() ({
        %run_scoped3A = tpu.sem_alloc : memref<!tpu.dma_semaphore, #tpu.memory_space<semaphore_mem>>
        %dma_start3A_58 = arith.constant 0 : i32
        %dma_start3A_59 = tpu.memref_slice %arg6[%add3A_42, %dma_start3A_58] : memref<51200x64xf32, #tpu.memory_space<hbm>> -> memref<32x64xf32, #tpu.memory_space<hbm>>
        %dma_start3A_60 = arith.constant 0 : i32
        %dma_start3A_61 = tpu.memref_slice %arg6[%add3A_42, %dma_start3A_60] : memref<51200x64xf32, #tpu.memory_space<hbm>> -> memref<32x64xf32, #tpu.memory_space<hbm>>
        tpu.enqueue_dma source(%arg9 : memref<32x64xf32, #tpu.memory_space<vmem>>) target(%dma_start3A_61 : memref<32x64xf32, #tpu.memory_space<hbm>>) target_semaphore(%run_scoped3A : memref<!tpu.dma_semaphore, #tpu.memory_space<semaphore_mem>>)
        %dma_wait3A_62 = arith.constant 0 : i32
        %dma_wait3A_63 = tpu.memref_slice %arg6[%add3A_42, %dma_wait3A_62] : memref<51200x64xf32, #tpu.memory_space<hbm>> -> memref<32x64xf32, #tpu.memory_space<hbm>>
        %dma_wait3A_64 = arith.constant 0 : i32
        %dma_wait3A_65 = tpu.memref_slice %arg6[%add3A_42, %dma_wait3A_64] : memref<51200x64xf32, #tpu.memory_space<hbm>> -> memref<32x64xf32, #tpu.memory_space<hbm>>
        tpu.wait_dma2 semaphore(%run_scoped3A : memref<!tpu.dma_semaphore, #tpu.memory_space<semaphore_mem>>) src(%arg9 : memref<32x64xf32, #tpu.memory_space<vmem>>) dst(%dma_wait3A_65 : memref<32x64xf32, #tpu.memory_space<hbm>>)
        tpu.yield
      }) : () -> ()
      %lt3A = arith.constant 24 : i32
      %lt3A_43 = arith.cmpi slt, %scan3A_23, %lt3A : i32
      %convert_element_type3A = arith.extui %lt3A_43 : i1 to i32
      %cond3A = arith.constant 0 : i32
      %cond3A_44 = arith.cmpi ne, %convert_element_type3A, %cond3A : i32
      scf.if %cond3A_44 {
        %add3A_58 = arith.constant 2 : i32
        %add3A_59 = arith.addi %mul3A_25, %add3A_58 : i32
        %dma_start3A_60 = arith.constant 0 : i32
        %dma_start3A_61 = tpu.memref_slice %arg8[%add3A_59, %dma_start3A_60] : memref<50x32xi32, #tpu.memory_space<vmem>> -> memref<1x32xi32, #tpu.memory_space<vmem>>
        %dma_start3A_62 = tpu.memref_squeeze %dma_start3A_61 : memref<1x32xi32, #tpu.memory_space<vmem>> -> memref<32xi32, #tpu.memory_space<vmem>>
        %dma_start3A_63 = arith.constant 0 : i32
        %dma_start3A_64 = arith.constant 0 : i32
        %dma_start3A_65 = tpu.memref_slice %arg2[%dma_start3A_63, %dma_start3A_64] : memref<100000x64xf32, #tpu.memory_space<hbm>> -> memref<100000x64xf32, #tpu.memory_space<hbm>>
        tpu.enqueue_indirect_dma source(%dma_start3A_65 : memref<100000x64xf32, #tpu.memory_space<hbm>>) target(%arg9 : memref<32x64xf32, #tpu.memory_space<vmem>>) offsets(%dma_start3A_62 : memref<32xi32, #tpu.memory_space<vmem>>) semaphore(%arg13 : memref<!tpu.dma_semaphore, #tpu.memory_space<semaphore_mem>>)
      } else {
      }
      %add3A_45 = arith.constant 1 : i32
      %add3A_46 = arith.addi %mul3A_25, %add3A_45 : i32
      %dma_wait3A_47 = arith.constant 0 : i32
      %dma_wait3A_48 = tpu.memref_slice %arg8[%add3A_46, %dma_wait3A_47] : memref<50x32xi32, #tpu.memory_space<vmem>> -> memref<1x32xi32, #tpu.memory_space<vmem>>
      %dma_wait3A_49 = tpu.memref_squeeze %dma_wait3A_48 : memref<1x32xi32, #tpu.memory_space<vmem>> -> memref<32xi32, #tpu.memory_space<vmem>>
      %dma_wait3A_50 = arith.constant 0 : i32
      %dma_wait3A_51 = arith.constant 0 : i32
      %dma_wait3A_52 = tpu.memref_slice %arg2[%dma_wait3A_50, %dma_wait3A_51] : memref<100000x64xf32, #tpu.memory_space<hbm>> -> memref<100000x64xf32, #tpu.memory_space<hbm>>
      tpu.wait_indirect_dma semaphore(%arg14 : memref<!tpu.dma_semaphore, #tpu.memory_space<semaphore_mem>>) src(%dma_wait3A_52 : memref<100000x64xf32, #tpu.memory_space<hbm>>) dst(%arg10 : memref<32x64xf32, #tpu.memory_space<vmem>>)
      %add3A_53 = arith.constant 1 : i32
      %add3A_54 = arith.addi %mul3A_25, %add3A_53 : i32
      %mul3A_55 = arith.constant 1024 : i32
      %mul3A_56 = arith.muli %add3A_54, %mul3A_55 : i32
      %add3A_57 = arith.addi %mul3A_56, %mul3A_2 : i32
      "tpu.region"() ({
        %run_scoped3A = tpu.sem_alloc : memref<!tpu.dma_semaphore, #tpu.memory_space<semaphore_mem>>
        %dma_start3A_58 = arith.constant 0 : i32
        %dma_start3A_59 = tpu.memref_slice %arg6[%add3A_57, %dma_start3A_58] : memref<51200x64xf32, #tpu.memory_space<hbm>> -> memref<32x64xf32, #tpu.memory_space<hbm>>
        %dma_start3A_60 = arith.constant 0 : i32
        %dma_start3A_61 = tpu.memref_slice %arg6[%add3A_57, %dma_start3A_60] : memref<51200x64xf32, #tpu.memory_space<hbm>> -> memref<32x64xf32, #tpu.memory_space<hbm>>
        tpu.enqueue_dma source(%arg10 : memref<32x64xf32, #tpu.memory_space<vmem>>) target(%dma_start3A_61 : memref<32x64xf32, #tpu.memory_space<hbm>>) target_semaphore(%run_scoped3A : memref<!tpu.dma_semaphore, #tpu.memory_space<semaphore_mem>>)
        %dma_wait3A_62 = arith.constant 0 : i32
        %dma_wait3A_63 = tpu.memref_slice %arg6[%add3A_57, %dma_wait3A_62] : memref<51200x64xf32, #tpu.memory_space<hbm>> -> memref<32x64xf32, #tpu.memory_space<hbm>>
        %dma_wait3A_64 = arith.constant 0 : i32
        %dma_wait3A_65 = tpu.memref_slice %arg6[%add3A_57, %dma_wait3A_64] : memref<51200x64xf32, #tpu.memory_space<hbm>> -> memref<32x64xf32, #tpu.memory_space<hbm>>
        tpu.wait_dma2 semaphore(%run_scoped3A : memref<!tpu.dma_semaphore, #tpu.memory_space<semaphore_mem>>) src(%arg10 : memref<32x64xf32, #tpu.memory_space<vmem>>) dst(%dma_wait3A_65 : memref<32x64xf32, #tpu.memory_space<hbm>>)
        tpu.yield
      }) : () -> ()
    }
    %scan3A_13 = arith.constant 25 : i32
    %mul3A_14 = arith.constant 32 : i32
    %mul3A_15 = arith.muli %add3A, %mul3A_14 : i32
    "tpu.region"() ({
      %run_scoped3A = tpu.sem_alloc : memref<!tpu.dma_semaphore, #tpu.memory_space<semaphore_mem>>
      %dma_start3A_23 = tpu.memref_slice %arg4[%mul3A_15] : memref<1024xi32, #tpu.memory_space<hbm>> -> memref<32xi32, #tpu.memory_space<hbm>>
      %dma_start3A_24 = tpu.memref_slice %arg4[%mul3A_15] : memref<1024xi32, #tpu.memory_space<hbm>> -> memref<32xi32, #tpu.memory_space<hbm>>
      tpu.enqueue_dma source(%dma_start3A_24 : memref<32xi32, #tpu.memory_space<hbm>>) target(%arg11 : memref<32xi32, #tpu.memory_space<vmem>>) target_semaphore(%run_scoped3A : memref<!tpu.dma_semaphore, #tpu.memory_space<semaphore_mem>>)
      %dma_wait3A_25 = tpu.memref_slice %arg4[%mul3A_15] : memref<1024xi32, #tpu.memory_space<hbm>> -> memref<32xi32, #tpu.memory_space<hbm>>
      %dma_wait3A_26 = tpu.memref_slice %arg4[%mul3A_15] : memref<1024xi32, #tpu.memory_space<hbm>> -> memref<32xi32, #tpu.memory_space<hbm>>
      tpu.wait_dma2 semaphore(%run_scoped3A : memref<!tpu.dma_semaphore, #tpu.memory_space<semaphore_mem>>) src(%dma_wait3A_26 : memref<32xi32, #tpu.memory_space<hbm>>) dst(%arg11 : memref<32xi32, #tpu.memory_space<vmem>>)
      tpu.yield
    }) : () -> ()
    %dma_start3A_16 = arith.constant 0 : i32
    %dma_start3A_17 = arith.constant 0 : i32
    %dma_start3A_18 = tpu.memref_slice %arg5[%dma_start3A_16, %dma_start3A_17] : memref<100000x64xf32, #tpu.memory_space<hbm>> -> memref<100000x64xf32, #tpu.memory_space<hbm>>
    tpu.enqueue_indirect_dma source(%dma_start3A_18 : memref<100000x64xf32, #tpu.memory_space<hbm>>) target(%arg12 : memref<32x64xf32, #tpu.memory_space<vmem>>) offsets(%arg11 : memref<32xi32, #tpu.memory_space<vmem>>) semaphore(%arg13 : memref<!tpu.dma_semaphore, #tpu.memory_space<semaphore_mem>>)
    %dma_wait3A = arith.constant 0 : i32
    %dma_wait3A_19 = arith.constant 0 : i32
    %dma_wait3A_20 = tpu.memref_slice %arg5[%dma_wait3A, %dma_wait3A_19] : memref<100000x64xf32, #tpu.memory_space<hbm>> -> memref<100000x64xf32, #tpu.memory_space<hbm>>
    tpu.wait_indirect_dma semaphore(%arg13 : memref<!tpu.dma_semaphore, #tpu.memory_space<semaphore_mem>>) src(%dma_wait3A_20 : memref<100000x64xf32, #tpu.memory_space<hbm>>) dst(%arg12 : memref<32x64xf32, #tpu.memory_space<vmem>>)
    %mul3A_21 = arith.constant 32 : i32
    %mul3A_22 = arith.muli %add3A, %mul3A_21 : i32
    "tpu.region"() ({
      %run_scoped3A = tpu.sem_alloc : memref<!tpu.dma_semaphore, #tpu.memory_space<semaphore_mem>>
      %dma_start3A_23 = arith.constant 0 : i32
      %dma_start3A_24 = tpu.memref_slice %arg7[%mul3A_22, %dma_start3A_23] : memref<1024x64xf32, #tpu.memory_space<hbm>> -> memref<32x64xf32, #tpu.memory_space<hbm>>
      %dma_start3A_25 = arith.constant 0 : i32
      %dma_start3A_26 = tpu.memref_slice %arg7[%mul3A_22, %dma_start3A_25] : memref<1024x64xf32, #tpu.memory_space<hbm>> -> memref<32x64xf32, #tpu.memory_space<hbm>>
      tpu.enqueue_dma source(%arg12 : memref<32x64xf32, #tpu.memory_space<vmem>>) target(%dma_start3A_26 : memref<32x64xf32, #tpu.memory_space<hbm>>) target_semaphore(%run_scoped3A : memref<!tpu.dma_semaphore, #tpu.memory_space<semaphore_mem>>)
      %dma_wait3A_27 = arith.constant 0 : i32
      %dma_wait3A_28 = tpu.memref_slice %arg7[%mul3A_22, %dma_wait3A_27] : memref<1024x64xf32, #tpu.memory_space<hbm>> -> memref<32x64xf32, #tpu.memory_space<hbm>>
      %dma_wait3A_29 = arith.constant 0 : i32
      %dma_wait3A_30 = tpu.memref_slice %arg7[%mul3A_22, %dma_wait3A_29] : memref<1024x64xf32, #tpu.memory_space<hbm>> -> memref<32x64xf32, #tpu.memory_space<hbm>>
      tpu.wait_dma2 semaphore(%run_scoped3A : memref<!tpu.dma_semaphore, #tpu.memory_space<semaphore_mem>>) src(%arg12 : memref<32x64xf32, #tpu.memory_space<vmem>>) dst(%dma_wait3A_30 : memref<32x64xf32, #tpu.memory_space<hbm>>)
      tpu.yield
    }) : () -> ()
    return
  }
}

#map = affine_map<(d0, d1) -> (0, 0)>
#map1 = affine_map<(d0, d1) -> (0, 0, 0)>
#map2 = affine_map<(d0, d1) -> (0)>
module attributes {stable_mosaic.version = 14 : i64} {
  func.func @k(%arg0: i32, %arg1: i32, %arg2: memref<100000x64xf32, #tpu.memory_space<hbm>>, %arg3: memref<32x50x32xi32, #tpu.memory_space<hbm>>, %arg4: memref<1024xi32, #tpu.memory_space<hbm>>, %arg5: memref<100000x64xf32, #tpu.memory_space<hbm>>, %arg6: memref<51200x64xf32, #tpu.memory_space<hbm>>, %arg7: memref<1024x64xf32, #tpu.memory_space<hbm>>, %arg8: memref<50x32xi32, #tpu.memory_space<vmem>>, %arg9: memref<32x64xf32, #tpu.memory_space<vmem>>, %arg10: memref<32x64xf32, #tpu.memory_space<vmem>>, %arg11: memref<32xi32, #tpu.memory_space<vmem>>, %arg12: memref<32x64xf32, #tpu.memory_space<vmem>>, %arg13: memref<!tpu.dma_semaphore, #tpu.memory_space<semaphore_mem>>, %arg14: memref<!tpu.dma_semaphore, #tpu.memory_space<semaphore_mem>>) attributes {dimension_semantics = [#tpu.dimension_semantics<core_parallel>, #tpu.dimension_semantics<subcore_parallel>], iteration_bounds = array<i64: 2, 16>, scalar_prefetch = 0 : i64, scratch_operands = 7 : i64, tpu.core_type = #tpu.core_type<sc_vector_subcore>, window_params = [{transform_indices = #map}, {transform_indices = #map1}, {transform_indices = #map2}, {transform_indices = #map}, {transform_indices = #map}, {transform_indices = #map}]} {
    %mul3A = arith.constant 2 : i32
    %mul3A_0 = arith.muli %arg1, %mul3A : i32
    %add3A = arith.addi %mul3A_0, %arg0 : i32
    %mul3A_1 = arith.constant 32 : i32
    %mul3A_2 = arith.muli %add3A, %mul3A_1 : i32
    "tpu.region"() ({
      %run_scoped3A = tpu.sem_alloc : memref<!tpu.dma_semaphore, #tpu.memory_space<semaphore_mem>>
      %dma_start3A_23 = arith.constant 0 : i32
      %dma_start3A_24 = arith.constant 0 : i32
      %dma_start3A_25 = tpu.memref_slice %arg3[%add3A, %dma_start3A_23, %dma_start3A_24] : memref<32x50x32xi32, #tpu.memory_space<hbm>> -> memref<1x50x32xi32, #tpu.memory_space<hbm>>
      %dma_start3A_26 = tpu.memref_squeeze %dma_start3A_25 : memref<1x50x32xi32, #tpu.memory_space<hbm>> -> memref<50x32xi32, #tpu.memory_space<hbm>>
      %dma_start3A_27 = arith.constant 0 : i32
      %dma_start3A_28 = arith.constant 0 : i32
      %dma_start3A_29 = tpu.memref_slice %arg3[%add3A, %dma_start3A_27, %dma_start3A_28] : memref<32x50x32xi32, #tpu.memory_space<hbm>> -> memref<1x50x32xi32, #tpu.memory_space<hbm>>
      %dma_start3A_30 = tpu.memref_squeeze %dma_start3A_29 : memref<1x50x32xi32, #tpu.memory_space<hbm>> -> memref<50x32xi32, #tpu.memory_space<hbm>>
      tpu.enqueue_dma source(%dma_start3A_30 : memref<50x32xi32, #tpu.memory_space<hbm>>) target(%arg8 : memref<50x32xi32, #tpu.memory_space<vmem>>) target_semaphore(%run_scoped3A : memref<!tpu.dma_semaphore, #tpu.memory_space<semaphore_mem>>)
      %dma_wait3A_31 = arith.constant 0 : i32
      %dma_wait3A_32 = arith.constant 0 : i32
      %dma_wait3A_33 = tpu.memref_slice %arg3[%add3A, %dma_wait3A_31, %dma_wait3A_32] : memref<32x50x32xi32, #tpu.memory_space<hbm>> -> memref<1x50x32xi32, #tpu.memory_space<hbm>>
      %dma_wait3A_34 = tpu.memref_squeeze %dma_wait3A_33 : memref<1x50x32xi32, #tpu.memory_space<hbm>> -> memref<50x32xi32, #tpu.memory_space<hbm>>
      %dma_wait3A_35 = arith.constant 0 : i32
      %dma_wait3A_36 = arith.constant 0 : i32
      %dma_wait3A_37 = tpu.memref_slice %arg3[%add3A, %dma_wait3A_35, %dma_wait3A_36] : memref<32x50x32xi32, #tpu.memory_space<hbm>> -> memref<1x50x32xi32, #tpu.memory_space<hbm>>
      %dma_wait3A_38 = tpu.memref_squeeze %dma_wait3A_37 : memref<1x50x32xi32, #tpu.memory_space<hbm>> -> memref<50x32xi32, #tpu.memory_space<hbm>>
      tpu.wait_dma2 semaphore(%run_scoped3A : memref<!tpu.dma_semaphore, #tpu.memory_space<semaphore_mem>>) src(%dma_wait3A_38 : memref<50x32xi32, #tpu.memory_space<hbm>>) dst(%arg8 : memref<50x32xi32, #tpu.memory_space<vmem>>)
      tpu.yield
    }) : () -> ()
    %dma_start3A = arith.constant 0 : i32
    %dma_start3A_3 = arith.constant 0 : i32
    %dma_start3A_4 = tpu.memref_slice %arg8[%dma_start3A, %dma_start3A_3] : memref<50x32xi32, #tpu.memory_space<vmem>> -> memref<1x32xi32, #tpu.memory_space<vmem>>
    %dma_start3A_5 = tpu.memref_squeeze %dma_start3A_4 : memref<1x32xi32, #tpu.memory_space<vmem>> -> memref<32xi32, #tpu.memory_space<vmem>>
    %dma_start3A_6 = arith.constant 0 : i32
    %dma_start3A_7 = arith.constant 0 : i32
    %dma_start3A_8 = tpu.memref_slice %arg2[%dma_start3A_6, %dma_start3A_7] : memref<100000x64xf32, #tpu.memory_space<hbm>> -> memref<100000x64xf32, #tpu.memory_space<hbm>>
    tpu.enqueue_indirect_dma source(%dma_start3A_8 : memref<100000x64xf32, #tpu.memory_space<hbm>>) target(%arg9 : memref<32x64xf32, #tpu.memory_space<vmem>>) offsets(%dma_start3A_5 : memref<32xi32, #tpu.memory_space<vmem>>) semaphore(%arg13 : memref<!tpu.dma_semaphore, #tpu.memory_space<semaphore_mem>>)
    %scan3A = arith.constant 0 : i32
    %scan3A_9 = arith.constant 0 : i32
    %scan3A_10 = arith.constant 25 : i32
    %scan3A_11 = arith.addi %scan3A_9, %scan3A_10 : i32
    %scan3A_12 = arith.constant 1 : i32
    scf.for %scan3A_23 = %scan3A_9 to %scan3A_11 step %scan3A_12  : i32 {
      %mul3A_24 = arith.constant 2 : i32
      %mul3A_25 = arith.muli %mul3A_24, %scan3A_23 : i32
      %add3A_26 = arith.constant 1 : i32
      %add3A_27 = arith.addi %mul3A_25, %add3A_26 : i32
      %dma_start3A_28 = arith.constant 0 : i32
      %dma_start3A_29 = tpu.memref_slice %arg8[%add3A_27, %dma_start3A_28] : memref<50x32xi32, #tpu.memory_space<vmem>> -> memref<1x32xi32, #tpu.memory_space<vmem>>
      %dma_start3A_30 = tpu.memref_squeeze %dma_start3A_29 : memref<1x32xi32, #tpu.memory_space<vmem>> -> memref<32xi32, #tpu.memory_space<vmem>>
      %dma_start3A_31 = arith.constant 0 : i32
      %dma_start3A_32 = arith.constant 0 : i32
      %dma_start3A_33 = tpu.memref_slice %arg2[%dma_start3A_31, %dma_start3A_32] : memref<100000x64xf32, #tpu.memory_space<hbm>> -> memref<100000x64xf32, #tpu.memory_space<hbm>>
      tpu.enqueue_indirect_dma source(%dma_start3A_33 : memref<100000x64xf32, #tpu.memory_space<hbm>>) target(%arg10 : memref<32x64xf32, #tpu.memory_space<vmem>>) offsets(%dma_start3A_30 : memref<32xi32, #tpu.memory_space<vmem>>) semaphore(%arg14 : memref<!tpu.dma_semaphore, #tpu.memory_space<semaphore_mem>>)
      %dma_wait3A_34 = arith.constant 0 : i32
      %dma_wait3A_35 = tpu.memref_slice %arg8[%mul3A_25, %dma_wait3A_34] : memref<50x32xi32, #tpu.memory_space<vmem>> -> memref<1x32xi32, #tpu.memory_space<vmem>>
      %dma_wait3A_36 = tpu.memref_squeeze %dma_wait3A_35 : memref<1x32xi32, #tpu.memory_space<vmem>> -> memref<32xi32, #tpu.memory_space<vmem>>
      %dma_wait3A_37 = arith.constant 0 : i32
      %dma_wait3A_38 = arith.constant 0 : i32
      %dma_wait3A_39 = tpu.memref_slice %arg2[%dma_wait3A_37, %dma_wait3A_38] : memref<100000x64xf32, #tpu.memory_space<hbm>> -> memref<100000x64xf32, #tpu.memory_space<hbm>>
      tpu.wait_indirect_dma semaphore(%arg13 : memref<!tpu.dma_semaphore, #tpu.memory_space<semaphore_mem>>) src(%dma_wait3A_39 : memref<100000x64xf32, #tpu.memory_space<hbm>>) dst(%arg9 : memref<32x64xf32, #tpu.memory_space<vmem>>)
      %mul3A_40 = arith.constant 1024 : i32
      %mul3A_41 = arith.muli %mul3A_25, %mul3A_40 : i32
      %add3A_42 = arith.addi %mul3A_41, %mul3A_2 : i32
      "tpu.region"() ({
        %run_scoped3A = tpu.sem_alloc : memref<!tpu.dma_semaphore, #tpu.memory_space<semaphore_mem>>
        %dma_start3A_58 = arith.constant 0 : i32
        %dma_start3A_59 = tpu.memref_slice %arg6[%add3A_42, %dma_start3A_58] : memref<51200x64xf32, #tpu.memory_space<hbm>> -> memref<32x64xf32, #tpu.memory_space<hbm>>
        %dma_start3A_60 = arith.constant 0 : i32
        %dma_start3A_61 = tpu.memref_slice %arg6[%add3A_42, %dma_start3A_60] : memref<51200x64xf32, #tpu.memory_space<hbm>> -> memref<32x64xf32, #tpu.memory_space<hbm>>
        tpu.enqueue_dma source(%arg9 : memref<32x64xf32, #tpu.memory_space<vmem>>) target(%dma_start3A_61 : memref<32x64xf32, #tpu.memory_space<hbm>>) target_semaphore(%run_scoped3A : memref<!tpu.dma_semaphore, #tpu.memory_space<semaphore_mem>>)
        %dma_wait3A_62 = arith.constant 0 : i32
        %dma_wait3A_63 = tpu.memref_slice %arg6[%add3A_42, %dma_wait3A_62] : memref<51200x64xf32, #tpu.memory_space<hbm>> -> memref<32x64xf32, #tpu.memory_space<hbm>>
        %dma_wait3A_64 = arith.constant 0 : i32
        %dma_wait3A_65 = tpu.memref_slice %arg6[%add3A_42, %dma_wait3A_64] : memref<51200x64xf32, #tpu.memory_space<hbm>> -> memref<32x64xf32, #tpu.memory_space<hbm>>
        tpu.wait_dma2 semaphore(%run_scoped3A : memref<!tpu.dma_semaphore, #tpu.memory_space<semaphore_mem>>) src(%arg9 : memref<32x64xf32, #tpu.memory_space<vmem>>) dst(%dma_wait3A_65 : memref<32x64xf32, #tpu.memory_space<hbm>>)
        tpu.yield
      }) : () -> ()
      %lt3A = arith.constant 24 : i32
      %lt3A_43 = arith.cmpi slt, %scan3A_23, %lt3A : i32
      %convert_element_type3A = arith.extui %lt3A_43 : i1 to i32
      %cond3A = arith.constant 0 : i32
      %cond3A_44 = arith.cmpi ne, %convert_element_type3A, %cond3A : i32
      scf.if %cond3A_44 {
        %add3A_58 = arith.constant 2 : i32
        %add3A_59 = arith.addi %mul3A_25, %add3A_58 : i32
        %dma_start3A_60 = arith.constant 0 : i32
        %dma_start3A_61 = tpu.memref_slice %arg8[%add3A_59, %dma_start3A_60] : memref<50x32xi32, #tpu.memory_space<vmem>> -> memref<1x32xi32, #tpu.memory_space<vmem>>
        %dma_start3A_62 = tpu.memref_squeeze %dma_start3A_61 : memref<1x32xi32, #tpu.memory_space<vmem>> -> memref<32xi32, #tpu.memory_space<vmem>>
        %dma_start3A_63 = arith.constant 0 : i32
        %dma_start3A_64 = arith.constant 0 : i32
        %dma_start3A_65 = tpu.memref_slice %arg2[%dma_start3A_63, %dma_start3A_64] : memref<100000x64xf32, #tpu.memory_space<hbm>> -> memref<100000x64xf32, #tpu.memory_space<hbm>>
        tpu.enqueue_indirect_dma source(%dma_start3A_65 : memref<100000x64xf32, #tpu.memory_space<hbm>>) target(%arg9 : memref<32x64xf32, #tpu.memory_space<vmem>>) offsets(%dma_start3A_62 : memref<32xi32, #tpu.memory_space<vmem>>) semaphore(%arg13 : memref<!tpu.dma_semaphore, #tpu.memory_space<semaphore_mem>>)
      } else {
      }
      %add3A_45 = arith.constant 1 : i32
      %add3A_46 = arith.addi %mul3A_25, %add3A_45 : i32
      %dma_wait3A_47 = arith.constant 0 : i32
      %dma_wait3A_48 = tpu.memref_slice %arg8[%add3A_46, %dma_wait3A_47] : memref<50x32xi32, #tpu.memory_space<vmem>> -> memref<1x32xi32, #tpu.memory_space<vmem>>
      %dma_wait3A_49 = tpu.memref_squeeze %dma_wait3A_48 : memref<1x32xi32, #tpu.memory_space<vmem>> -> memref<32xi32, #tpu.memory_space<vmem>>
      %dma_wait3A_50 = arith.constant 0 : i32
      %dma_wait3A_51 = arith.constant 0 : i32
      %dma_wait3A_52 = tpu.memref_slice %arg2[%dma_wait3A_50, %dma_wait3A_51] : memref<100000x64xf32, #tpu.memory_space<hbm>> -> memref<100000x64xf32, #tpu.memory_space<hbm>>
      tpu.wait_indirect_dma semaphore(%arg14 : memref<!tpu.dma_semaphore, #tpu.memory_space<semaphore_mem>>) src(%dma_wait3A_52 : memref<100000x64xf32, #tpu.memory_space<hbm>>) dst(%arg10 : memref<32x64xf32, #tpu.memory_space<vmem>>)
      %add3A_53 = arith.constant 1 : i32
      %add3A_54 = arith.addi %mul3A_25, %add3A_53 : i32
      %mul3A_55 = arith.constant 1024 : i32
      %mul3A_56 = arith.muli %add3A_54, %mul3A_55 : i32
      %add3A_57 = arith.addi %mul3A_56, %mul3A_2 : i32
      "tpu.region"() ({
        %run_scoped3A = tpu.sem_alloc : memref<!tpu.dma_semaphore, #tpu.memory_space<semaphore_mem>>
        %dma_start3A_58 = arith.constant 0 : i32
        %dma_start3A_59 = tpu.memref_slice %arg6[%add3A_57, %dma_start3A_58] : memref<51200x64xf32, #tpu.memory_space<hbm>> -> memref<32x64xf32, #tpu.memory_space<hbm>>
        %dma_start3A_60 = arith.constant 0 : i32
        %dma_start3A_61 = tpu.memref_slice %arg6[%add3A_57, %dma_start3A_60] : memref<51200x64xf32, #tpu.memory_space<hbm>> -> memref<32x64xf32, #tpu.memory_space<hbm>>
        tpu.enqueue_dma source(%arg10 : memref<32x64xf32, #tpu.memory_space<vmem>>) target(%dma_start3A_61 : memref<32x64xf32, #tpu.memory_space<hbm>>) target_semaphore(%run_scoped3A : memref<!tpu.dma_semaphore, #tpu.memory_space<semaphore_mem>>)
        %dma_wait3A_62 = arith.constant 0 : i32
        %dma_wait3A_63 = tpu.memref_slice %arg6[%add3A_57, %dma_wait3A_62] : memref<51200x64xf32, #tpu.memory_space<hbm>> -> memref<32x64xf32, #tpu.memory_space<hbm>>
        %dma_wait3A_64 = arith.constant 0 : i32
        %dma_wait3A_65 = tpu.memref_slice %arg6[%add3A_57, %dma_wait3A_64] : memref<51200x64xf32, #tpu.memory_space<hbm>> -> memref<32x64xf32, #tpu.memory_space<hbm>>
        tpu.wait_dma2 semaphore(%run_scoped3A : memref<!tpu.dma_semaphore, #tpu.memory_space<semaphore_mem>>) src(%arg10 : memref<32x64xf32, #tpu.memory_space<vmem>>) dst(%dma_wait3A_65 : memref<32x64xf32, #tpu.memory_space<hbm>>)
        tpu.yield
      }) : () -> ()
    }
    %scan3A_13 = arith.constant 25 : i32
    %mul3A_14 = arith.constant 32 : i32
    %mul3A_15 = arith.muli %add3A, %mul3A_14 : i32
    "tpu.region"() ({
      %run_scoped3A = tpu.sem_alloc : memref<!tpu.dma_semaphore, #tpu.memory_space<semaphore_mem>>
      %dma_start3A_23 = tpu.memref_slice %arg4[%mul3A_15] : memref<1024xi32, #tpu.memory_space<hbm>> -> memref<32xi32, #tpu.memory_space<hbm>>
      %dma_start3A_24 = tpu.memref_slice %arg4[%mul3A_15] : memref<1024xi32, #tpu.memory_space<hbm>> -> memref<32xi32, #tpu.memory_space<hbm>>
      tpu.enqueue_dma source(%dma_start3A_24 : memref<32xi32, #tpu.memory_space<hbm>>) target(%arg11 : memref<32xi32, #tpu.memory_space<vmem>>) target_semaphore(%run_scoped3A : memref<!tpu.dma_semaphore, #tpu.memory_space<semaphore_mem>>)
      %dma_wait3A_25 = tpu.memref_slice %arg4[%mul3A_15] : memref<1024xi32, #tpu.memory_space<hbm>> -> memref<32xi32, #tpu.memory_space<hbm>>
      %dma_wait3A_26 = tpu.memref_slice %arg4[%mul3A_15] : memref<1024xi32, #tpu.memory_space<hbm>> -> memref<32xi32, #tpu.memory_space<hbm>>
      tpu.wait_dma2 semaphore(%run_scoped3A : memref<!tpu.dma_semaphore, #tpu.memory_space<semaphore_mem>>) src(%dma_wait3A_26 : memref<32xi32, #tpu.memory_space<hbm>>) dst(%arg11 : memref<32xi32, #tpu.memory_space<vmem>>)
      tpu.yield
    }) : () -> ()
    %dma_start3A_16 = arith.constant 0 : i32
    %dma_start3A_17 = arith.constant 0 : i32
    %dma_start3A_18 = tpu.memref_slice %arg5[%dma_start3A_16, %dma_start3A_17] : memref<100000x64xf32, #tpu.memory_space<hbm>> -> memref<100000x64xf32, #tpu.memory_space<hbm>>
    tpu.enqueue_indirect_dma source(%dma_start3A_18 : memref<100000x64xf32, #tpu.memory_space<hbm>>) target(%arg12 : memref<32x64xf32, #tpu.memory_space<vmem>>) offsets(%arg11 : memref<32xi32, #tpu.memory_space<vmem>>) semaphore(%arg13 : memref<!tpu.dma_semaphore, #tpu.memory_space<semaphore_mem>>)
    %dma_wait3A = arith.constant 0 : i32
    %dma_wait3A_19 = arith.constant 0 : i32
    %dma_wait3A_20 = tpu.memref_slice %arg5[%dma_wait3A, %dma_wait3A_19] : memref<100000x64xf32, #tpu.memory_space<hbm>> -> memref<100000x64xf32, #tpu.memory_space<hbm>>
    tpu.wait_indirect_dma semaphore(%arg13 : memref<!tpu.dma_semaphore, #tpu.memory_space<semaphore_mem>>) src(%dma_wait3A_20 : memref<100000x64xf32, #tpu.memory_space<hbm>>) dst(%arg12 : memref<32x64xf32, #tpu.memory_space<vmem>>)
    %mul3A_21 = arith.constant 32 : i32
    %mul3A_22 = arith.muli %add3A, %mul3A_21 : i32
    "tpu.region"() ({
      %run_scoped3A = tpu.sem_alloc : memref<!tpu.dma_semaphore, #tpu.memory_space<semaphore_mem>>
      %dma_start3A_23 = arith.constant 0 : i32
      %dma_start3A_24 = tpu.memref_slice %arg7[%mul3A_22, %dma_start3A_23] : memref<1024x64xf32, #tpu.memory_space<hbm>> -> memref<32x64xf32, #tpu.memory_space<hbm>>
      %dma_start3A_25 = arith.constant 0 : i32
      %dma_start3A_26 = tpu.memref_slice %arg7[%mul3A_22, %dma_start3A_25] : memref<1024x64xf32, #tpu.memory_space<hbm>> -> memref<32x64xf32, #tpu.memory_space<hbm>>
      tpu.enqueue_dma source(%arg12 : memref<32x64xf32, #tpu.memory_space<vmem>>) target(%dma_start3A_26 : memref<32x64xf32, #tpu.memory_space<hbm>>) target_semaphore(%run_scoped3A : memref<!tpu.dma_semaphore, #tpu.memory_space<semaphore_mem>>)
      %dma_wait3A_27 = arith.constant 0 : i32
      %dma_wait3A_28 = tpu.memref_slice %arg7[%mul3A_22, %dma_wait3A_27] : memref<1024x64xf32, #tpu.memory_space<hbm>> -> memref<32x64xf32, #tpu.memory_space<hbm>>
      %dma_wait3A_29 = arith.constant 0 : i32
      %dma_wait3A_30 = tpu.memref_slice %arg7[%mul3A_22, %dma_wait3A_29] : memref<1024x64xf32, #tpu.memory_space<hbm>> -> memref<32x64xf32, #tpu.memory_space<hbm>>
      tpu.wait_dma2 semaphore(%run_scoped3A : memref<!tpu.dma_semaphore, #tpu.memory_space<semaphore_mem>>) src(%arg12 : memref<32x64xf32, #tpu.memory_space<vmem>>) dst(%dma_wait3A_30 : memref<32x64xf32, #tpu.memory_space<hbm>>)
      tpu.yield
    }) : () -> ()
    return
  }
}

#map = affine_map<(d0, d1) -> (0, 0)>
#map1 = affine_map<(d0, d1) -> (0, 0, 0)>
#map2 = affine_map<(d0, d1) -> (0)>
module attributes {stable_mosaic.version = 14 : i64} {
  func.func @k(%arg0: i32, %arg1: i32, %arg2: memref<100000x64xf32, #tpu.memory_space<hbm>>, %arg3: memref<32x50x32xi32, #tpu.memory_space<hbm>>, %arg4: memref<1024xi32, #tpu.memory_space<hbm>>, %arg5: memref<100000x64xf32, #tpu.memory_space<hbm>>, %arg6: memref<51200x64xf32, #tpu.memory_space<hbm>>, %arg7: memref<1024x64xf32, #tpu.memory_space<hbm>>, %arg8: memref<50x32xi32, #tpu.memory_space<vmem>>, %arg9: memref<32x64xf32, #tpu.memory_space<vmem>>, %arg10: memref<32x64xf32, #tpu.memory_space<vmem>>, %arg11: memref<32xi32, #tpu.memory_space<vmem>>, %arg12: memref<32x64xf32, #tpu.memory_space<vmem>>, %arg13: memref<!tpu.dma_semaphore, #tpu.memory_space<semaphore_mem>>, %arg14: memref<!tpu.dma_semaphore, #tpu.memory_space<semaphore_mem>>) attributes {dimension_semantics = [#tpu.dimension_semantics<core_parallel>, #tpu.dimension_semantics<subcore_parallel>], iteration_bounds = array<i64: 2, 16>, scalar_prefetch = 0 : i64, scratch_operands = 7 : i64, tpu.core_type = #tpu.core_type<sc_vector_subcore>, window_params = [{transform_indices = #map}, {transform_indices = #map1}, {transform_indices = #map2}, {transform_indices = #map}, {transform_indices = #map}, {transform_indices = #map}]} {
    %mul3A = arith.constant 2 : i32
    %mul3A_0 = arith.muli %arg1, %mul3A : i32
    %add3A = arith.addi %mul3A_0, %arg0 : i32
    %mul3A_1 = arith.constant 32 : i32
    %mul3A_2 = arith.muli %add3A, %mul3A_1 : i32
    "tpu.region"() ({
      %run_scoped3A = tpu.sem_alloc : memref<!tpu.dma_semaphore, #tpu.memory_space<semaphore_mem>>
      %dma_start3A_23 = arith.constant 0 : i32
      %dma_start3A_24 = arith.constant 0 : i32
      %dma_start3A_25 = tpu.memref_slice %arg3[%add3A, %dma_start3A_23, %dma_start3A_24] : memref<32x50x32xi32, #tpu.memory_space<hbm>> -> memref<1x50x32xi32, #tpu.memory_space<hbm>>
      %dma_start3A_26 = tpu.memref_squeeze %dma_start3A_25 : memref<1x50x32xi32, #tpu.memory_space<hbm>> -> memref<50x32xi32, #tpu.memory_space<hbm>>
      %dma_start3A_27 = arith.constant 0 : i32
      %dma_start3A_28 = arith.constant 0 : i32
      %dma_start3A_29 = tpu.memref_slice %arg3[%add3A, %dma_start3A_27, %dma_start3A_28] : memref<32x50x32xi32, #tpu.memory_space<hbm>> -> memref<1x50x32xi32, #tpu.memory_space<hbm>>
      %dma_start3A_30 = tpu.memref_squeeze %dma_start3A_29 : memref<1x50x32xi32, #tpu.memory_space<hbm>> -> memref<50x32xi32, #tpu.memory_space<hbm>>
      tpu.enqueue_dma source(%dma_start3A_30 : memref<50x32xi32, #tpu.memory_space<hbm>>) target(%arg8 : memref<50x32xi32, #tpu.memory_space<vmem>>) target_semaphore(%run_scoped3A : memref<!tpu.dma_semaphore, #tpu.memory_space<semaphore_mem>>)
      %dma_wait3A_31 = arith.constant 0 : i32
      %dma_wait3A_32 = arith.constant 0 : i32
      %dma_wait3A_33 = tpu.memref_slice %arg3[%add3A, %dma_wait3A_31, %dma_wait3A_32] : memref<32x50x32xi32, #tpu.memory_space<hbm>> -> memref<1x50x32xi32, #tpu.memory_space<hbm>>
      %dma_wait3A_34 = tpu.memref_squeeze %dma_wait3A_33 : memref<1x50x32xi32, #tpu.memory_space<hbm>> -> memref<50x32xi32, #tpu.memory_space<hbm>>
      %dma_wait3A_35 = arith.constant 0 : i32
      %dma_wait3A_36 = arith.constant 0 : i32
      %dma_wait3A_37 = tpu.memref_slice %arg3[%add3A, %dma_wait3A_35, %dma_wait3A_36] : memref<32x50x32xi32, #tpu.memory_space<hbm>> -> memref<1x50x32xi32, #tpu.memory_space<hbm>>
      %dma_wait3A_38 = tpu.memref_squeeze %dma_wait3A_37 : memref<1x50x32xi32, #tpu.memory_space<hbm>> -> memref<50x32xi32, #tpu.memory_space<hbm>>
      tpu.wait_dma2 semaphore(%run_scoped3A : memref<!tpu.dma_semaphore, #tpu.memory_space<semaphore_mem>>) src(%dma_wait3A_38 : memref<50x32xi32, #tpu.memory_space<hbm>>) dst(%arg8 : memref<50x32xi32, #tpu.memory_space<vmem>>)
      tpu.yield
    }) : () -> ()
    %dma_start3A = arith.constant 0 : i32
    %dma_start3A_3 = arith.constant 0 : i32
    %dma_start3A_4 = tpu.memref_slice %arg8[%dma_start3A, %dma_start3A_3] : memref<50x32xi32, #tpu.memory_space<vmem>> -> memref<1x32xi32, #tpu.memory_space<vmem>>
    %dma_start3A_5 = tpu.memref_squeeze %dma_start3A_4 : memref<1x32xi32, #tpu.memory_space<vmem>> -> memref<32xi32, #tpu.memory_space<vmem>>
    %dma_start3A_6 = arith.constant 0 : i32
    %dma_start3A_7 = arith.constant 0 : i32
    %dma_start3A_8 = tpu.memref_slice %arg2[%dma_start3A_6, %dma_start3A_7] : memref<100000x64xf32, #tpu.memory_space<hbm>> -> memref<100000x64xf32, #tpu.memory_space<hbm>>
    tpu.enqueue_indirect_dma source(%dma_start3A_8 : memref<100000x64xf32, #tpu.memory_space<hbm>>) target(%arg9 : memref<32x64xf32, #tpu.memory_space<vmem>>) offsets(%dma_start3A_5 : memref<32xi32, #tpu.memory_space<vmem>>) semaphore(%arg13 : memref<!tpu.dma_semaphore, #tpu.memory_space<semaphore_mem>>)
    %scan3A = arith.constant 0 : i32
    %scan3A_9 = arith.constant 0 : i32
    %scan3A_10 = arith.constant 25 : i32
    %scan3A_11 = arith.addi %scan3A_9, %scan3A_10 : i32
    %scan3A_12 = arith.constant 1 : i32
    scf.for %scan3A_23 = %scan3A_9 to %scan3A_11 step %scan3A_12  : i32 {
      %mul3A_24 = arith.constant 2 : i32
      %mul3A_25 = arith.muli %mul3A_24, %scan3A_23 : i32
      %add3A_26 = arith.constant 1 : i32
      %add3A_27 = arith.addi %mul3A_25, %add3A_26 : i32
      %dma_start3A_28 = arith.constant 0 : i32
      %dma_start3A_29 = tpu.memref_slice %arg8[%add3A_27, %dma_start3A_28] : memref<50x32xi32, #tpu.memory_space<vmem>> -> memref<1x32xi32, #tpu.memory_space<vmem>>
      %dma_start3A_30 = tpu.memref_squeeze %dma_start3A_29 : memref<1x32xi32, #tpu.memory_space<vmem>> -> memref<32xi32, #tpu.memory_space<vmem>>
      %dma_start3A_31 = arith.constant 0 : i32
      %dma_start3A_32 = arith.constant 0 : i32
      %dma_start3A_33 = tpu.memref_slice %arg2[%dma_start3A_31, %dma_start3A_32] : memref<100000x64xf32, #tpu.memory_space<hbm>> -> memref<100000x64xf32, #tpu.memory_space<hbm>>
      tpu.enqueue_indirect_dma source(%dma_start3A_33 : memref<100000x64xf32, #tpu.memory_space<hbm>>) target(%arg10 : memref<32x64xf32, #tpu.memory_space<vmem>>) offsets(%dma_start3A_30 : memref<32xi32, #tpu.memory_space<vmem>>) semaphore(%arg14 : memref<!tpu.dma_semaphore, #tpu.memory_space<semaphore_mem>>)
      %dma_wait3A_34 = arith.constant 0 : i32
      %dma_wait3A_35 = tpu.memref_slice %arg8[%mul3A_25, %dma_wait3A_34] : memref<50x32xi32, #tpu.memory_space<vmem>> -> memref<1x32xi32, #tpu.memory_space<vmem>>
      %dma_wait3A_36 = tpu.memref_squeeze %dma_wait3A_35 : memref<1x32xi32, #tpu.memory_space<vmem>> -> memref<32xi32, #tpu.memory_space<vmem>>
      %dma_wait3A_37 = arith.constant 0 : i32
      %dma_wait3A_38 = arith.constant 0 : i32
      %dma_wait3A_39 = tpu.memref_slice %arg2[%dma_wait3A_37, %dma_wait3A_38] : memref<100000x64xf32, #tpu.memory_space<hbm>> -> memref<100000x64xf32, #tpu.memory_space<hbm>>
      tpu.wait_indirect_dma semaphore(%arg13 : memref<!tpu.dma_semaphore, #tpu.memory_space<semaphore_mem>>) src(%dma_wait3A_39 : memref<100000x64xf32, #tpu.memory_space<hbm>>) dst(%arg9 : memref<32x64xf32, #tpu.memory_space<vmem>>)
      %mul3A_40 = arith.constant 1024 : i32
      %mul3A_41 = arith.muli %mul3A_25, %mul3A_40 : i32
      %add3A_42 = arith.addi %mul3A_41, %mul3A_2 : i32
      "tpu.region"() ({
        %run_scoped3A = tpu.sem_alloc : memref<!tpu.dma_semaphore, #tpu.memory_space<semaphore_mem>>
        %dma_start3A_58 = arith.constant 0 : i32
        %dma_start3A_59 = tpu.memref_slice %arg6[%add3A_42, %dma_start3A_58] : memref<51200x64xf32, #tpu.memory_space<hbm>> -> memref<32x64xf32, #tpu.memory_space<hbm>>
        %dma_start3A_60 = arith.constant 0 : i32
        %dma_start3A_61 = tpu.memref_slice %arg6[%add3A_42, %dma_start3A_60] : memref<51200x64xf32, #tpu.memory_space<hbm>> -> memref<32x64xf32, #tpu.memory_space<hbm>>
        tpu.enqueue_dma source(%arg9 : memref<32x64xf32, #tpu.memory_space<vmem>>) target(%dma_start3A_61 : memref<32x64xf32, #tpu.memory_space<hbm>>) target_semaphore(%run_scoped3A : memref<!tpu.dma_semaphore, #tpu.memory_space<semaphore_mem>>)
        %dma_wait3A_62 = arith.constant 0 : i32
        %dma_wait3A_63 = tpu.memref_slice %arg6[%add3A_42, %dma_wait3A_62] : memref<51200x64xf32, #tpu.memory_space<hbm>> -> memref<32x64xf32, #tpu.memory_space<hbm>>
        %dma_wait3A_64 = arith.constant 0 : i32
        %dma_wait3A_65 = tpu.memref_slice %arg6[%add3A_42, %dma_wait3A_64] : memref<51200x64xf32, #tpu.memory_space<hbm>> -> memref<32x64xf32, #tpu.memory_space<hbm>>
        tpu.wait_dma2 semaphore(%run_scoped3A : memref<!tpu.dma_semaphore, #tpu.memory_space<semaphore_mem>>) src(%arg9 : memref<32x64xf32, #tpu.memory_space<vmem>>) dst(%dma_wait3A_65 : memref<32x64xf32, #tpu.memory_space<hbm>>)
        tpu.yield
      }) : () -> ()
      %lt3A = arith.constant 24 : i32
      %lt3A_43 = arith.cmpi slt, %scan3A_23, %lt3A : i32
      %convert_element_type3A = arith.extui %lt3A_43 : i1 to i32
      %cond3A = arith.constant 0 : i32
      %cond3A_44 = arith.cmpi ne, %convert_element_type3A, %cond3A : i32
      scf.if %cond3A_44 {
        %add3A_58 = arith.constant 2 : i32
        %add3A_59 = arith.addi %mul3A_25, %add3A_58 : i32
        %dma_start3A_60 = arith.constant 0 : i32
        %dma_start3A_61 = tpu.memref_slice %arg8[%add3A_59, %dma_start3A_60] : memref<50x32xi32, #tpu.memory_space<vmem>> -> memref<1x32xi32, #tpu.memory_space<vmem>>
        %dma_start3A_62 = tpu.memref_squeeze %dma_start3A_61 : memref<1x32xi32, #tpu.memory_space<vmem>> -> memref<32xi32, #tpu.memory_space<vmem>>
        %dma_start3A_63 = arith.constant 0 : i32
        %dma_start3A_64 = arith.constant 0 : i32
        %dma_start3A_65 = tpu.memref_slice %arg2[%dma_start3A_63, %dma_start3A_64] : memref<100000x64xf32, #tpu.memory_space<hbm>> -> memref<100000x64xf32, #tpu.memory_space<hbm>>
        tpu.enqueue_indirect_dma source(%dma_start3A_65 : memref<100000x64xf32, #tpu.memory_space<hbm>>) target(%arg9 : memref<32x64xf32, #tpu.memory_space<vmem>>) offsets(%dma_start3A_62 : memref<32xi32, #tpu.memory_space<vmem>>) semaphore(%arg13 : memref<!tpu.dma_semaphore, #tpu.memory_space<semaphore_mem>>)
      } else {
      }
      %add3A_45 = arith.constant 1 : i32
      %add3A_46 = arith.addi %mul3A_25, %add3A_45 : i32
      %dma_wait3A_47 = arith.constant 0 : i32
      %dma_wait3A_48 = tpu.memref_slice %arg8[%add3A_46, %dma_wait3A_47] : memref<50x32xi32, #tpu.memory_space<vmem>> -> memref<1x32xi32, #tpu.memory_space<vmem>>
      %dma_wait3A_49 = tpu.memref_squeeze %dma_wait3A_48 : memref<1x32xi32, #tpu.memory_space<vmem>> -> memref<32xi32, #tpu.memory_space<vmem>>
      %dma_wait3A_50 = arith.constant 0 : i32
      %dma_wait3A_51 = arith.constant 0 : i32
      %dma_wait3A_52 = tpu.memref_slice %arg2[%dma_wait3A_50, %dma_wait3A_51] : memref<100000x64xf32, #tpu.memory_space<hbm>> -> memref<100000x64xf32, #tpu.memory_space<hbm>>
      tpu.wait_indirect_dma semaphore(%arg14 : memref<!tpu.dma_semaphore, #tpu.memory_space<semaphore_mem>>) src(%dma_wait3A_52 : memref<100000x64xf32, #tpu.memory_space<hbm>>) dst(%arg10 : memref<32x64xf32, #tpu.memory_space<vmem>>)
      %add3A_53 = arith.constant 1 : i32
      %add3A_54 = arith.addi %mul3A_25, %add3A_53 : i32
      %mul3A_55 = arith.constant 1024 : i32
      %mul3A_56 = arith.muli %add3A_54, %mul3A_55 : i32
      %add3A_57 = arith.addi %mul3A_56, %mul3A_2 : i32
      "tpu.region"() ({
        %run_scoped3A = tpu.sem_alloc : memref<!tpu.dma_semaphore, #tpu.memory_space<semaphore_mem>>
        %dma_start3A_58 = arith.constant 0 : i32
        %dma_start3A_59 = tpu.memref_slice %arg6[%add3A_57, %dma_start3A_58] : memref<51200x64xf32, #tpu.memory_space<hbm>> -> memref<32x64xf32, #tpu.memory_space<hbm>>
        %dma_start3A_60 = arith.constant 0 : i32
        %dma_start3A_61 = tpu.memref_slice %arg6[%add3A_57, %dma_start3A_60] : memref<51200x64xf32, #tpu.memory_space<hbm>> -> memref<32x64xf32, #tpu.memory_space<hbm>>
        tpu.enqueue_dma source(%arg10 : memref<32x64xf32, #tpu.memory_space<vmem>>) target(%dma_start3A_61 : memref<32x64xf32, #tpu.memory_space<hbm>>) target_semaphore(%run_scoped3A : memref<!tpu.dma_semaphore, #tpu.memory_space<semaphore_mem>>)
        %dma_wait3A_62 = arith.constant 0 : i32
        %dma_wait3A_63 = tpu.memref_slice %arg6[%add3A_57, %dma_wait3A_62] : memref<51200x64xf32, #tpu.memory_space<hbm>> -> memref<32x64xf32, #tpu.memory_space<hbm>>
        %dma_wait3A_64 = arith.constant 0 : i32
        %dma_wait3A_65 = tpu.memref_slice %arg6[%add3A_57, %dma_wait3A_64] : memref<51200x64xf32, #tpu.memory_space<hbm>> -> memref<32x64xf32, #tpu.memory_space<hbm>>
        tpu.wait_dma2 semaphore(%run_scoped3A : memref<!tpu.dma_semaphore, #tpu.memory_space<semaphore_mem>>) src(%arg10 : memref<32x64xf32, #tpu.memory_space<vmem>>) dst(%dma_wait3A_65 : memref<32x64xf32, #tpu.memory_space<hbm>>)
        tpu.yield
      }) : () -> ()
    }
    %scan3A_13 = arith.constant 25 : i32
    %mul3A_14 = arith.constant 32 : i32
    %mul3A_15 = arith.muli %add3A, %mul3A_14 : i32
    "tpu.region"() ({
      %run_scoped3A = tpu.sem_alloc : memref<!tpu.dma_semaphore, #tpu.memory_space<semaphore_mem>>
      %dma_start3A_23 = tpu.memref_slice %arg4[%mul3A_15] : memref<1024xi32, #tpu.memory_space<hbm>> -> memref<32xi32, #tpu.memory_space<hbm>>
      %dma_start3A_24 = tpu.memref_slice %arg4[%mul3A_15] : memref<1024xi32, #tpu.memory_space<hbm>> -> memref<32xi32, #tpu.memory_space<hbm>>
      tpu.enqueue_dma source(%dma_start3A_24 : memref<32xi32, #tpu.memory_space<hbm>>) target(%arg11 : memref<32xi32, #tpu.memory_space<vmem>>) target_semaphore(%run_scoped3A : memref<!tpu.dma_semaphore, #tpu.memory_space<semaphore_mem>>)
      %dma_wait3A_25 = tpu.memref_slice %arg4[%mul3A_15] : memref<1024xi32, #tpu.memory_space<hbm>> -> memref<32xi32, #tpu.memory_space<hbm>>
      %dma_wait3A_26 = tpu.memref_slice %arg4[%mul3A_15] : memref<1024xi32, #tpu.memory_space<hbm>> -> memref<32xi32, #tpu.memory_space<hbm>>
      tpu.wait_dma2 semaphore(%run_scoped3A : memref<!tpu.dma_semaphore, #tpu.memory_space<semaphore_mem>>) src(%dma_wait3A_26 : memref<32xi32, #tpu.memory_space<hbm>>) dst(%arg11 : memref<32xi32, #tpu.memory_space<vmem>>)
      tpu.yield
    }) : () -> ()
    %dma_start3A_16 = arith.constant 0 : i32
    %dma_start3A_17 = arith.constant 0 : i32
    %dma_start3A_18 = tpu.memref_slice %arg5[%dma_start3A_16, %dma_start3A_17] : memref<100000x64xf32, #tpu.memory_space<hbm>> -> memref<100000x64xf32, #tpu.memory_space<hbm>>
    tpu.enqueue_indirect_dma source(%dma_start3A_18 : memref<100000x64xf32, #tpu.memory_space<hbm>>) target(%arg12 : memref<32x64xf32, #tpu.memory_space<vmem>>) offsets(%arg11 : memref<32xi32, #tpu.memory_space<vmem>>) semaphore(%arg13 : memref<!tpu.dma_semaphore, #tpu.memory_space<semaphore_mem>>)
    %dma_wait3A = arith.constant 0 : i32
    %dma_wait3A_19 = arith.constant 0 : i32
    %dma_wait3A_20 = tpu.memref_slice %arg5[%dma_wait3A, %dma_wait3A_19] : memref<100000x64xf32, #tpu.memory_space<hbm>> -> memref<100000x64xf32, #tpu.memory_space<hbm>>
    tpu.wait_indirect_dma semaphore(%arg13 : memref<!tpu.dma_semaphore, #tpu.memory_space<semaphore_mem>>) src(%dma_wait3A_20 : memref<100000x64xf32, #tpu.memory_space<hbm>>) dst(%arg12 : memref<32x64xf32, #tpu.memory_space<vmem>>)
    %mul3A_21 = arith.constant 32 : i32
    %mul3A_22 = arith.muli %add3A, %mul3A_21 : i32
    "tpu.region"() ({
      %run_scoped3A = tpu.sem_alloc : memref<!tpu.dma_semaphore, #tpu.memory_space<semaphore_mem>>
      %dma_start3A_23 = arith.constant 0 : i32
      %dma_start3A_24 = tpu.memref_slice %arg7[%mul3A_22, %dma_start3A_23] : memref<1024x64xf32, #tpu.memory_space<hbm>> -> memref<32x64xf32, #tpu.memory_space<hbm>>
      %dma_start3A_25 = arith.constant 0 : i32
      %dma_start3A_26 = tpu.memref_slice %arg7[%mul3A_22, %dma_start3A_25] : memref<1024x64xf32, #tpu.memory_space<hbm>> -> memref<32x64xf32, #tpu.memory_space<hbm>>
      tpu.enqueue_dma source(%arg12 : memref<32x64xf32, #tpu.memory_space<vmem>>) target(%dma_start3A_26 : memref<32x64xf32, #tpu.memory_space<hbm>>) target_semaphore(%run_scoped3A : memref<!tpu.dma_semaphore, #tpu.memory_space<semaphore_mem>>)
      %dma_wait3A_27 = arith.constant 0 : i32
      %dma_wait3A_28 = tpu.memref_slice %arg7[%mul3A_22, %dma_wait3A_27] : memref<1024x64xf32, #tpu.memory_space<hbm>> -> memref<32x64xf32, #tpu.memory_space<hbm>>
      %dma_wait3A_29 = arith.constant 0 : i32
      %dma_wait3A_30 = tpu.memref_slice %arg7[%mul3A_22, %dma_wait3A_29] : memref<1024x64xf32, #tpu.memory_space<hbm>> -> memref<32x64xf32, #tpu.memory_space<hbm>>
      tpu.wait_dma2 semaphore(%run_scoped3A : memref<!tpu.dma_semaphore, #tpu.memory_space<semaphore_mem>>) src(%arg12 : memref<32x64xf32, #tpu.memory_space<vmem>>) dst(%dma_wait3A_30 : memref<32x64xf32, #tpu.memory_space<hbm>>)
      tpu.yield
    }) : () -> ()
    return
  }
}

module attributes {stable_mosaic.version = 14 : i64} {
  func.func @_tc_body(%arg0: i32, %arg1: memref<50x128x128xf32, #tpu.memory_space<vmem>>, %arg2: memref<128x2x50xi32, #tpu.memory_space<vmem>>, %arg3: memref<128x128xf32, #tpu.memory_space<vmem>>, %arg4: memref<5x64xf32, #tpu.memory_space<vmem>>, %arg5: memref<64x128xf32, #tpu.memory_space<vmem>>, %arg6: memref<1x64xf32, #tpu.memory_space<vmem>>, %arg7: memref<64x64xf32, #tpu.memory_space<vmem>>, %arg8: memref<1x64xf32, #tpu.memory_space<vmem>>, %arg9: memref<64x128xf32, #tpu.memory_space<vmem>>, %arg10: memref<1x64xf32, #tpu.memory_space<vmem>>, %arg11: memref<64x64xf32, #tpu.memory_space<vmem>>, %arg12: memref<1x64xf32, #tpu.memory_space<vmem>>, %arg13: memref<1x64xf32, #tpu.memory_space<vmem>>, %arg14: memref<128x128xf32, #tpu.memory_space<vmem>>) attributes {dimension_semantics = [#tpu.dimension_semantics<arbitrary>], iteration_bounds = array<i64: 4>, scalar_prefetch = 0 : i64, scratch_operands = 0 : i64, tpu.core_type = #tpu.core_type<tc>, window_params = [{transform_indices = @transform_0, window_bounds = array<i64: 50, 128, 128>}, {transform_indices = @transform_1, window_bounds = array<i64: 128, 2, 50>}, {transform_indices = @transform_2, window_bounds = array<i64: 128, 128>}, {pipeline_mode = #tpu.pipeline_mode<synchronous>, transform_indices = @transform_3, window_bounds = array<i64: 5, 64>}, {pipeline_mode = #tpu.pipeline_mode<synchronous>, transform_indices = @transform_4, window_bounds = array<i64: 64, 128>}, {pipeline_mode = #tpu.pipeline_mode<synchronous>, transform_indices = @transform_5, window_bounds = array<i64: 1, 64>}, {pipeline_mode = #tpu.pipeline_mode<synchronous>, transform_indices = @transform_6, window_bounds = array<i64: 64, 64>}, {pipeline_mode = #tpu.pipeline_mode<synchronous>, transform_indices = @transform_7, window_bounds = array<i64: 1, 64>}, {pipeline_mode = #tpu.pipeline_mode<synchronous>, transform_indices = @transform_8, window_bounds = array<i64: 64, 128>}, {pipeline_mode = #tpu.pipeline_mode<synchronous>, transform_indices = @transform_9, window_bounds = array<i64: 1, 64>}, {pipeline_mode = #tpu.pipeline_mode<synchronous>, transform_indices = @transform_10, window_bounds = array<i64: 64, 64>}, {pipeline_mode = #tpu.pipeline_mode<synchronous>, transform_indices = @transform_11, window_bounds = array<i64: 1, 64>}, {pipeline_mode = #tpu.pipeline_mode<synchronous>, transform_indices = @transform_12, window_bounds = array<i64: 1, 64>}, {transform_indices = @transform_13, window_bounds = array<i64: 128, 128>}]} {
    %iota3A = tpu.iota {dimensions = array<i32: 1>} : vector<2x128xi32>
    %iota3A_0 = tpu.iota {dimensions = array<i32: 0>} : vector<2x128xi32>
    %lt3A = arith.constant 64 : i32
    %lt3A_1 = vector.broadcast %lt3A : i32 to vector<2x128xi32>
    %lt3A_2 = arith.cmpi slt, %iota3A, %lt3A_1 : vector<2x128xi32>
    %eq3A = arith.constant 0 : i32
    %eq3A_3 = vector.broadcast %eq3A : i32 to vector<2x128xi32>
    %eq3A_4 = arith.cmpi eq, %iota3A_0, %eq3A_3 : vector<2x128xi32>
    %eq3A_5 = arith.xori %lt3A_2, %eq3A_4 : vector<2x128xi1>
    %eq3A_6 = arith.constant dense<true> : vector<2x128xi1>
    %eq3A_7 = arith.xori %eq3A_5, %eq3A_6 : vector<2x128xi1>
    %jit3A = arith.constant 1.000000e+00 : f32
    %jit3A_8 = arith.constant 0.000000e+00 : f32
    %broadcast_in_dim3A = vector.broadcast %jit3A : f32 to vector<2x128xf32>
    %broadcast_in_dim3A_9 = vector.broadcast %jit3A_8 : f32 to vector<2x128xf32>
    %select_n3A = arith.select %eq3A_7, %broadcast_in_dim3A, %broadcast_in_dim3A_9 : vector<2x128xi1>, vector<2x128xf32>
    %get3A = arith.constant 0 : index
    %get3A_10 = arith.constant 0 : index
    %get3A_11 = vector.load %arg4[%get3A, %get3A_10] : memref<5x64xf32, #tpu.memory_space<vmem>>, vector<5x64xf32>
    %get3A_12 = arith.constant 0 : index
    %get3A_13 = arith.constant 64 : index
    %get3A_14 = vector.load %arg5[%get3A_12, %get3A_13] : memref<64x128xf32, #tpu.memory_space<vmem>>, vector<64x64xf32>
    %dot_general3A = arith.constant dense<0.000000e+00> : vector<5x64xf32>
    %dot_general3A_15 = tpu.matmul %get3A_11, %get3A_14, %dot_general3A {dimension_numbers = #tpu.dot_dimension_numbers<[1], [1], [0], [0], [0, 0, 1, 0], [], []>, transpose_lhs_hint = false} : vector<5x64xf32>, vector<64x64xf32>, vector<5x64xf32> -> vector<5x64xf32>
    %get3A_16 = arith.constant 0 : index
    %get3A_17 = arith.constant 0 : index
    %get3A_18 = vector.load %arg6[%get3A_16, %get3A_17] : memref<1x64xf32, #tpu.memory_space<vmem>>, vector<1x64xf32>
    %add3A = vector.broadcast %get3A_18 : vector<1x64xf32> to vector<5x64xf32>
    %add3A_19 = arith.addf %dot_general3A_15, %add3A : vector<5x64xf32>
    %broadcast_in_dim3A_20 = arith.constant 0.000000e+00 : f32
    %broadcast_in_dim3A_21 = vector.broadcast %broadcast_in_dim3A_20 : f32 to vector<5x64xf32>
    %concatenate3A = tpu.concatenate %add3A_19, %broadcast_in_dim3A_21 in 1 : vector<5x64xf32>, vector<5x64xf32> -> vector<5x128xf32>
    %concatenate3A_22 = tpu.concatenate %broadcast_in_dim3A_21, %add3A_19 in 1 : vector<5x64xf32>, vector<5x64xf32> -> vector<5x128xf32>
    %concatenate3A_23 = tpu.concatenate %concatenate3A, %concatenate3A_22 in 0 : vector<5x128xf32>, vector<5x128xf32> -> vector<10x128xf32>
    %iota3A_24 = tpu.iota {dimensions = array<i32: 1>} : vector<2x10xi32>
    %iota3A_25 = tpu.iota {dimensions = array<i32: 0>} : vector<2x10xi32>
    %lt3A_26 = arith.constant 5 : i32
    %lt3A_27 = vector.broadcast %lt3A_26 : i32 to vector<2x10xi32>
    %lt3A_28 = arith.cmpi slt, %iota3A_24, %lt3A_27 : vector<2x10xi32>
    %eq3A_29 = arith.constant 0 : i32
    %eq3A_30 = vector.broadcast %eq3A_29 : i32 to vector<2x10xi32>
    %eq3A_31 = arith.cmpi eq, %iota3A_25, %eq3A_30 : vector<2x10xi32>
    %eq3A_32 = arith.xori %lt3A_28, %eq3A_31 : vector<2x10xi1>
    %eq3A_33 = arith.constant dense<true> : vector<2x10xi1>
    %eq3A_34 = arith.xori %eq3A_32, %eq3A_33 : vector<2x10xi1>
    %jit3A_35 = arith.constant 1.000000e+00 : f32
    %jit3A_36 = arith.constant 0.000000e+00 : f32
    %broadcast_in_dim3A_37 = vector.broadcast %jit3A_35 : f32 to vector<2x10xf32>
    %broadcast_in_dim3A_38 = vector.broadcast %jit3A_36 : f32 to vector<2x10xf32>
    %select_n3A_39 = arith.select %eq3A_34, %broadcast_in_dim3A_37, %broadcast_in_dim3A_38 : vector<2x10xi1>, vector<2x10xf32>
    %slice3A = vector.extract_strided_slice %iota3A_24 {offsets = [0, 0], sizes = [1, 10], strides = [1, 1]} : vector<2x10xi32> to vector<1x10xi32>
    %lt3A_40 = arith.constant 5 : i32
    %lt3A_41 = vector.broadcast %lt3A_40 : i32 to vector<1x10xi32>
    %lt3A_42 = arith.cmpi slt, %slice3A, %lt3A_41 : vector<1x10xi32>
    %slice3A_43 = vector.extract_strided_slice %iota3A_24 {offsets = [0, 0], sizes = [1, 10], strides = [1, 1]} : vector<2x10xi32> to vector<1x10xi32>
    %slice3A_44 = vector.extract_strided_slice %iota3A_24 {offsets = [0, 0], sizes = [1, 10], strides = [1, 1]} : vector<2x10xi32> to vector<1x10xi32>
    %sub3A = arith.constant 5 : i32
    %sub3A_45 = vector.broadcast %sub3A : i32 to vector<1x10xi32>
    %sub3A_46 = arith.subi %slice3A_44, %sub3A_45 : vector<1x10xi32>
    %select_n3A_47 = arith.select %lt3A_42, %slice3A_43, %sub3A_46 : vector<1x10xi1>, vector<1x10xi32>
    %convert_element_type3A = arith.sitofp %select_n3A_47 : vector<1x10xi32> to vector<1x10xf32>
    %get3A_48 = arith.constant 0 : index
    %get3A_49 = arith.constant 0 : index
    %get3A_50 = arith.constant 0 : index
    %get3A_51 = vector.load %arg2[%get3A_48, %get3A_49, %get3A_50] : memref<128x2x50xi32, #tpu.memory_space<vmem>>, vector<128x2x50xi32>
    %convert_element_type3A_52 = arith.sitofp %get3A_51 : vector<128x2x50xi32> to vector<128x2x50xf32>
    %transpose3A = tpu.transpose %convert_element_type3A_52, [2, 0, 1] : vector<128x2x50xf32> -> vector<50x128x2xf32>
    %reshape3A = vector.shape_cast %transpose3A : vector<50x128x2xf32> to vector<6400x2xf32>
    %dot_general3A_53 = arith.constant dense<0.000000e+00> : vector<6400x10xf32>
    %dot_general3A_54 = tpu.matmul %reshape3A, %select_n3A_39, %dot_general3A_53 {dimension_numbers = #tpu.dot_dimension_numbers<[1], [0], [0], [1], [0, 0, 1, 1], [], []>, transpose_lhs_hint = false} : vector<6400x2xf32>, vector<2x10xf32>, vector<6400x10xf32> -> vector<6400x10xf32>
    %eq3A_55 = vector.broadcast %convert_element_type3A : vector<1x10xf32> to vector<6400x10xf32>
    %eq3A_56 = arith.cmpf oeq, %dot_general3A_54, %eq3A_55 : vector<6400x10xf32>
    %jit3A_57 = arith.constant 1.000000e+00 : f32
    %jit3A_58 = arith.constant 0.000000e+00 : f32
    %broadcast_in_dim3A_59 = vector.broadcast %jit3A_57 : f32 to vector<6400x10xf32>
    %broadcast_in_dim3A_60 = vector.broadcast %jit3A_58 : f32 to vector<6400x10xf32>
    %select_n3A_61 = arith.select %eq3A_56, %broadcast_in_dim3A_59, %broadcast_in_dim3A_60 : vector<6400x10xi1>, vector<6400x10xf32>
    %dot_general3A_62 = arith.constant dense<0.000000e+00> : vector<6400x128xf32>
    %dot_general3A_63 = tpu.matmul %select_n3A_61, %concatenate3A_23, %dot_general3A_62 {dimension_numbers = #tpu.dot_dimension_numbers<[1], [0], [0], [1], [0, 0, 1, 1], [], []>, transpose_lhs_hint = false} : vector<6400x10xf32>, vector<10x128xf32>, vector<6400x128xf32> -> vector<6400x128xf32>
    %get3A_64 = arith.constant 0 : index
    %get3A_65 = arith.constant 0 : index
    %get3A_66 = arith.constant 0 : index
    %get3A_67 = vector.load %arg1[%get3A_64, %get3A_65, %get3A_66] : memref<50x128x128xf32, #tpu.memory_space<vmem>>, vector<50x128x128xf32>
    %reshape3A_68 = vector.shape_cast %get3A_67 : vector<50x128x128xf32> to vector<6400x128xf32>
    %get3A_69 = arith.constant 0 : index
    %get3A_70 = arith.constant 0 : index
    %get3A_71 = vector.load %arg5[%get3A_69, %get3A_70] : memref<64x128xf32, #tpu.memory_space<vmem>>, vector<64x64xf32>
    %broadcast_in_dim3A_72 = arith.constant 0.000000e+00 : f32
    %broadcast_in_dim3A_73 = vector.broadcast %broadcast_in_dim3A_72 : f32 to vector<64x64xf32>
    %concatenate3A_74 = tpu.concatenate %get3A_71, %broadcast_in_dim3A_73 in 1 : vector<64x64xf32>, vector<64x64xf32> -> vector<64x128xf32>
    %concatenate3A_75 = tpu.concatenate %broadcast_in_dim3A_73, %get3A_71 in 1 : vector<64x64xf32>, vector<64x64xf32> -> vector<64x128xf32>
    %concatenate3A_76 = tpu.concatenate %concatenate3A_74, %concatenate3A_75 in 0 : vector<64x128xf32>, vector<64x128xf32> -> vector<128x128xf32>
    %dot_general3A_77 = arith.constant dense<0.000000e+00> : vector<6400x128xf32>
    %dot_general3A_78 = tpu.matmul %reshape3A_68, %concatenate3A_76, %dot_general3A_77 {dimension_numbers = #tpu.dot_dimension_numbers<[1], [1], [0], [0], [0, 0, 1, 0], [], []>, transpose_lhs_hint = false} : vector<6400x128xf32>, vector<128x128xf32>, vector<6400x128xf32> -> vector<6400x128xf32>
    %add3A_79 = arith.addf %dot_general3A_78, %dot_general3A_63 : vector<6400x128xf32>
    %max3A = arith.constant 0.000000e+00 : f32
    %max3A_80 = vector.broadcast %max3A : f32 to vector<6400x128xf32>
    %max3A_81 = arith.maximumf %add3A_79, %max3A_80 : vector<6400x128xf32>
    %get3A_82 = arith.constant 0 : index
    %get3A_83 = arith.constant 0 : index
    %get3A_84 = vector.load %arg8[%get3A_82, %get3A_83] : memref<1x64xf32, #tpu.memory_space<vmem>>, vector<1x64xf32>
    %get3A_85 = arith.constant 0 : index
    %get3A_86 = arith.constant 0 : index
    %get3A_87 = vector.load %arg8[%get3A_85, %get3A_86] : memref<1x64xf32, #tpu.memory_space<vmem>>, vector<1x64xf32>
    %concatenate3A_88 = tpu.concatenate %get3A_84, %get3A_87 in 1 : vector<1x64xf32>, vector<1x64xf32> -> vector<1x128xf32>
    %get3A_89 = arith.constant 0 : index
    %get3A_90 = arith.constant 0 : index
    %get3A_91 = vector.load %arg7[%get3A_89, %get3A_90] : memref<64x64xf32, #tpu.memory_space<vmem>>, vector<64x64xf32>
    %broadcast_in_dim3A_92 = arith.constant 0.000000e+00 : f32
    %broadcast_in_dim3A_93 = vector.broadcast %broadcast_in_dim3A_92 : f32 to vector<64x64xf32>
    %concatenate3A_94 = tpu.concatenate %get3A_91, %broadcast_in_dim3A_93 in 1 : vector<64x64xf32>, vector<64x64xf32> -> vector<64x128xf32>
    %concatenate3A_95 = tpu.concatenate %broadcast_in_dim3A_93, %get3A_91 in 1 : vector<64x64xf32>, vector<64x64xf32> -> vector<64x128xf32>
    %concatenate3A_96 = tpu.concatenate %concatenate3A_94, %concatenate3A_95 in 0 : vector<64x128xf32>, vector<64x128xf32> -> vector<128x128xf32>
    %dot_general3A_97 = arith.constant dense<0.000000e+00> : vector<6400x128xf32>
    %dot_general3A_98 = tpu.matmul %max3A_81, %concatenate3A_96, %dot_general3A_97 {dimension_numbers = #tpu.dot_dimension_numbers<[1], [1], [0], [0], [0, 0, 1, 0], [], []>, transpose_lhs_hint = false} : vector<6400x128xf32>, vector<128x128xf32>, vector<6400x128xf32> -> vector<6400x128xf32>
    %add3A_99 = vector.broadcast %concatenate3A_88 : vector<1x128xf32> to vector<6400x128xf32>
    %add3A_100 = arith.addf %dot_general3A_98, %add3A_99 : vector<6400x128xf32>
    %max3A_101 = arith.constant 0.000000e+00 : f32
    %max3A_102 = vector.broadcast %max3A_101 : f32 to vector<6400x128xf32>
    %max3A_103 = arith.maximumf %add3A_100, %max3A_102 : vector<6400x128xf32>
    %get3A_104 = arith.constant 0 : index
    %get3A_105 = arith.constant 0 : index
    %get3A_106 = vector.load %arg9[%get3A_104, %get3A_105] : memref<64x128xf32, #tpu.memory_space<vmem>>, vector<64x64xf32>
    %broadcast_in_dim3A_107 = arith.constant 0.000000e+00 : f32
    %broadcast_in_dim3A_108 = vector.broadcast %broadcast_in_dim3A_107 : f32 to vector<64x64xf32>
    %concatenate3A_109 = tpu.concatenate %get3A_106, %broadcast_in_dim3A_108 in 1 : vector<64x64xf32>, vector<64x64xf32> -> vector<64x128xf32>
    %concatenate3A_110 = tpu.concatenate %broadcast_in_dim3A_108, %get3A_106 in 1 : vector<64x64xf32>, vector<64x64xf32> -> vector<64x128xf32>
    %concatenate3A_111 = tpu.concatenate %concatenate3A_109, %concatenate3A_110 in 0 : vector<64x128xf32>, vector<64x128xf32> -> vector<128x128xf32>
    %dot_general3A_112 = arith.constant dense<0.000000e+00> : vector<6400x128xf32>
    %dot_general3A_113 = tpu.matmul %max3A_103, %concatenate3A_111, %dot_general3A_112 {dimension_numbers = #tpu.dot_dimension_numbers<[1], [1], [0], [0], [0, 0, 1, 0], [], []>, transpose_lhs_hint = false} : vector<6400x128xf32>, vector<128x128xf32>, vector<6400x128xf32> -> vector<6400x128xf32>
    %get3A_114 = arith.constant 0 : index
    %get3A_115 = arith.constant 0 : index
    %get3A_116 = vector.load %arg10[%get3A_114, %get3A_115] : memref<1x64xf32, #tpu.memory_space<vmem>>, vector<1x64xf32>
    %get3A_117 = arith.constant 0 : index
    %get3A_118 = arith.constant 0 : index
    %get3A_119 = vector.load %arg10[%get3A_117, %get3A_118] : memref<1x64xf32, #tpu.memory_space<vmem>>, vector<1x64xf32>
    %concatenate3A_120 = tpu.concatenate %get3A_116, %get3A_119 in 1 : vector<1x64xf32>, vector<1x64xf32> -> vector<1x128xf32>
    %get3A_121 = arith.constant 0 : index
    %get3A_122 = arith.constant 0 : index
    %get3A_123 = vector.load %arg3[%get3A_121, %get3A_122] : memref<128x128xf32, #tpu.memory_space<vmem>>, vector<128x128xf32>
    %get3A_124 = arith.constant 0 : index
    %get3A_125 = arith.constant 64 : index
    %get3A_126 = vector.load %arg9[%get3A_124, %get3A_125] : memref<64x128xf32, #tpu.memory_space<vmem>>, vector<64x64xf32>
    %broadcast_in_dim3A_127 = arith.constant 0.000000e+00 : f32
    %broadcast_in_dim3A_128 = vector.broadcast %broadcast_in_dim3A_127 : f32 to vector<64x64xf32>
    %concatenate3A_129 = tpu.concatenate %get3A_126, %broadcast_in_dim3A_128 in 1 : vector<64x64xf32>, vector<64x64xf32> -> vector<64x128xf32>
    %concatenate3A_130 = tpu.concatenate %broadcast_in_dim3A_128, %get3A_126 in 1 : vector<64x64xf32>, vector<64x64xf32> -> vector<64x128xf32>
    %concatenate3A_131 = tpu.concatenate %concatenate3A_129, %concatenate3A_130 in 0 : vector<64x128xf32>, vector<64x128xf32> -> vector<128x128xf32>
    %dot_general3A_132 = arith.constant dense<0.000000e+00> : vector<128x128xf32>
    %dot_general3A_133 = tpu.matmul %get3A_123, %concatenate3A_131, %dot_general3A_132 {dimension_numbers = #tpu.dot_dimension_numbers<[1], [1], [0], [0], [0, 0, 1, 0], [], []>, transpose_lhs_hint = false} : vector<128x128xf32>, vector<128x128xf32>, vector<128x128xf32> -> vector<128x128xf32>
    %add3A_134 = vector.broadcast %concatenate3A_120 : vector<1x128xf32> to vector<128x128xf32>
    %add3A_135 = arith.addf %dot_general3A_133, %add3A_134 : vector<128x128xf32>
    %reshape3A_136 = vector.shape_cast %dot_general3A_113 : vector<6400x128xf32> to vector<50x128x128xf32>
    %broadcast_in_dim3A_137 = vector.shape_cast %add3A_135 : vector<128x128xf32> to vector<1x128x128xf32>
    %add3A_138 = vector.broadcast %broadcast_in_dim3A_137 : vector<1x128x128xf32> to vector<50x128x128xf32>
    %add3A_139 = arith.addf %reshape3A_136, %add3A_138 : vector<50x128x128xf32>
    %max3A_140 = arith.constant 0.000000e+00 : f32
    %max3A_141 = vector.broadcast %max3A_140 : f32 to vector<50x128x128xf32>
    %max3A_142 = arith.maximumf %add3A_139, %max3A_141 : vector<50x128x128xf32>
    %get3A_143 = arith.constant 0 : index
    %get3A_144 = arith.constant 0 : index
    %get3A_145 = vector.load %arg12[%get3A_143, %get3A_144] : memref<1x64xf32, #tpu.memory_space<vmem>>, vector<1x64xf32>
    %get3A_146 = arith.constant 0 : index
    %get3A_147 = arith.constant 0 : index
    %get3A_148 = vector.load %arg12[%get3A_146, %get3A_147] : memref<1x64xf32, #tpu.memory_space<vmem>>, vector<1x64xf32>
    %concatenate3A_149 = tpu.concatenate %get3A_145, %get3A_148 in 1 : vector<1x64xf32>, vector<1x64xf32> -> vector<1x128xf32>
    %reshape3A_150 = vector.shape_cast %max3A_142 : vector<50x128x128xf32> to vector<6400x128xf32>
    %get3A_151 = arith.constant 0 : index
    %get3A_152 = arith.constant 0 : index
    %get3A_153 = vector.load %arg11[%get3A_151, %get3A_152] : memref<64x64xf32, #tpu.memory_space<vmem>>, vector<64x64xf32>
    %broadcast_in_dim3A_154 = arith.constant 0.000000e+00 : f32
    %broadcast_in_dim3A_155 = vector.broadcast %broadcast_in_dim3A_154 : f32 to vector<64x64xf32>
    %concatenate3A_156 = tpu.concatenate %get3A_153, %broadcast_in_dim3A_155 in 1 : vector<64x64xf32>, vector<64x64xf32> -> vector<64x128xf32>
    %concatenate3A_157 = tpu.concatenate %broadcast_in_dim3A_155, %get3A_153 in 1 : vector<64x64xf32>, vector<64x64xf32> -> vector<64x128xf32>
    %concatenate3A_158 = tpu.concatenate %concatenate3A_156, %concatenate3A_157 in 0 : vector<64x128xf32>, vector<64x128xf32> -> vector<128x128xf32>
    %dot_general3A_159 = arith.constant dense<0.000000e+00> : vector<6400x128xf32>
    %dot_general3A_160 = tpu.matmul %reshape3A_150, %concatenate3A_158, %dot_general3A_159 {dimension_numbers = #tpu.dot_dimension_numbers<[1], [1], [0], [0], [0, 0, 1, 0], [], []>, transpose_lhs_hint = false} : vector<6400x128xf32>, vector<128x128xf32>, vector<6400x128xf32> -> vector<6400x128xf32>
    %add3A_161 = vector.broadcast %concatenate3A_149 : vector<1x128xf32> to vector<6400x128xf32>
    %add3A_162 = arith.addf %dot_general3A_160, %add3A_161 : vector<6400x128xf32>
    %max3A_163 = arith.constant 0.000000e+00 : f32
    %max3A_164 = vector.broadcast %max3A_163 : f32 to vector<6400x128xf32>
    %max3A_165 = arith.maximumf %add3A_162, %max3A_164 : vector<6400x128xf32>
    %get3A_166 = arith.constant 0 : index
    %get3A_167 = arith.constant 0 : index
    %get3A_168 = vector.load %arg13[%get3A_166, %get3A_167] : memref<1x64xf32, #tpu.memory_space<vmem>>, vector<1x64xf32>
    %get3A_169 = arith.constant 0 : index
    %get3A_170 = arith.constant 0 : index
    %get3A_171 = vector.load %arg13[%get3A_169, %get3A_170] : memref<1x64xf32, #tpu.memory_space<vmem>>, vector<1x64xf32>
    %concatenate3A_172 = tpu.concatenate %get3A_168, %get3A_171 in 1 : vector<1x64xf32>, vector<1x64xf32> -> vector<1x128xf32>
    %mul3A = vector.broadcast %concatenate3A_172 : vector<1x128xf32> to vector<6400x128xf32>
    %mul3A_173 = arith.mulf %max3A_165, %mul3A : vector<6400x128xf32>
    %dot_general3A_174 = arith.constant dense<0.000000e+00> : vector<6400x2xf32>
    %dot_general3A_175 = tpu.matmul %mul3A_173, %select_n3A, %dot_general3A_174 {dimension_numbers = #tpu.dot_dimension_numbers<[1], [1], [0], [0], [0, 0, 1, 0], [], []>, transpose_lhs_hint = false} : vector<6400x128xf32>, vector<2x128xf32>, vector<6400x2xf32> -> vector<6400x2xf32>
    %reshape3A_176 = vector.shape_cast %dot_general3A_175 : vector<6400x2xf32> to vector<50x128x2xf32>
    %reduce_max3A = arith.constant dense<0xFF800000> : vector<128x2xf32>
    %reduce_max3A_177 = vector.multi_reduction <maximumf>, %reshape3A_176, %reduce_max3A [0] : vector<50x128x2xf32> to vector<128x2xf32>
    %broadcast_in_dim3A_178 = vector.shape_cast %reduce_max3A_177 : vector<128x2xf32> to vector<1x128x2xf32>
    %sub3A_179 = vector.broadcast %broadcast_in_dim3A_178 : vector<1x128x2xf32> to vector<50x128x2xf32>
    %sub3A_180 = arith.subf %reshape3A_176, %sub3A_179 : vector<50x128x2xf32>
    %exp3A = math.exp %sub3A_180 : vector<50x128x2xf32>
    %reduce_sum3A = arith.constant dense<0.000000e+00> : vector<128x2xf32>
    %reduce_sum3A_181 = vector.multi_reduction <add>, %exp3A, %reduce_sum3A [0] : vector<50x128x2xf32> to vector<128x2xf32>
    %broadcast_in_dim3A_182 = vector.shape_cast %reduce_sum3A_181 : vector<128x2xf32> to vector<1x128x2xf32>
    %div3A = vector.broadcast %broadcast_in_dim3A_182 : vector<1x128x2xf32> to vector<50x128x2xf32>
    %div3A_183 = arith.divf %exp3A, %div3A : vector<50x128x2xf32>
    %reshape3A_184 = vector.shape_cast %div3A_183 : vector<50x128x2xf32> to vector<6400x2xf32>
    %dot_general3A_185 = arith.constant dense<0.000000e+00> : vector<6400x128xf32>
    %dot_general3A_186 = tpu.matmul %reshape3A_184, %select_n3A, %dot_general3A_185 {dimension_numbers = #tpu.dot_dimension_numbers<[1], [0], [0], [1], [0, 0, 1, 1], [], []>, transpose_lhs_hint = false} : vector<6400x2xf32>, vector<2x128xf32>, vector<6400x128xf32> -> vector<6400x128xf32>
    %mul3A_187 = arith.mulf %max3A_103, %dot_general3A_186 : vector<6400x128xf32>
    %reshape3A_188 = vector.shape_cast %mul3A_187 : vector<6400x128xf32> to vector<50x128x128xf32>
    %reduce_sum3A_189 = arith.constant dense<0.000000e+00> : vector<128x128xf32>
    %reduce_sum3A_190 = vector.multi_reduction <add>, %reshape3A_188, %reduce_sum3A_189 [0] : vector<50x128x128xf32> to vector<128x128xf32>
    %swap3A = arith.constant 0 : index
    %swap3A_191 = arith.constant 0 : index
    %swap3A_192 = vector.load %arg14[%swap3A, %swap3A_191] : memref<128x128xf32, #tpu.memory_space<vmem>>, vector<128x128xf32>
    tpu.vector_store %arg14[%swap3A, %swap3A_191], %reduce_sum3A_190 {strides = array<i32>} : memref<128x128xf32, #tpu.memory_space<vmem>>, vector<128x128xf32>,
    return
  }
  func.func @transform_0(%arg0: i32) -> (i32, i32, i32) {
    %c0_i32 = arith.constant 0 : i32
    %c0_i32_0 = arith.constant 0 : i32
    %c0_i32_1 = arith.constant 0 : i32
    return %c0_i32, %arg0, %c0_i32_0 : i32, i32, i32
  }
  func.func @transform_1(%arg0: i32) -> (i32, i32, i32) {
    %c0_i32 = arith.constant 0 : i32
    %c0_i32_0 = arith.constant 0 : i32
    %c0_i32_1 = arith.constant 0 : i32
    return %arg0, %c0_i32, %c0_i32_0 : i32, i32, i32
  }
  func.func @transform_2(%arg0: i32) -> (i32, i32) {
    %c0_i32 = arith.constant 0 : i32
    %c0_i32_0 = arith.constant 0 : i32
    return %arg0, %c0_i32 : i32, i32
  }
  func.func @transform_3(%arg0: i32) -> (i32, i32) {
    %c0_i32 = arith.constant 0 : i32
    %c0_i32_0 = arith.constant 0 : i32
    %c0_i32_1 = arith.constant 0 : i32
    return %c0_i32, %c0_i32_0 : i32, i32
  }
  func.func @transform_4(%arg0: i32) -> (i32, i32) {
    %c0_i32 = arith.constant 0 : i32
    %c0_i32_0 = arith.constant 0 : i32
    %c0_i32_1 = arith.constant 0 : i32
    return %c0_i32, %c0_i32_0 : i32, i32
  }
  func.func @transform_5(%arg0: i32) -> (i32, i32) {
    %c0_i32 = arith.constant 0 : i32
    %c0_i32_0 = arith.constant 0 : i32
    %c0_i32_1 = arith.constant 0 : i32
    return %c0_i32, %c0_i32_0 : i32, i32
  }
  func.func @transform_6(%arg0: i32) -> (i32, i32) {
    %c0_i32 = arith.constant 0 : i32
    %c0_i32_0 = arith.constant 0 : i32
    %c0_i32_1 = arith.constant 0 : i32
    return %c0_i32, %c0_i32_0 : i32, i32
  }
  func.func @transform_7(%arg0: i32) -> (i32, i32) {
    %c0_i32 = arith.constant 0 : i32
    %c0_i32_0 = arith.constant 0 : i32
    %c0_i32_1 = arith.constant 0 : i32
    return %c0_i32, %c0_i32_0 : i32, i32
  }
  func.func @transform_8(%arg0: i32) -> (i32, i32) {
    %c0_i32 = arith.constant 0 : i32
    %c0_i32_0 = arith.constant 0 : i32
    %c0_i32_1 = arith.constant 0 : i32
    return %c0_i32, %c0_i32_0 : i32, i32
  }
  func.func @transform_9(%arg0: i32) -> (i32, i32) {
    %c0_i32 = arith.constant 0 : i32
    %c0_i32_0 = arith.constant 0 : i32
    %c0_i32_1 = arith.constant 0 : i32
    return %c0_i32, %c0_i32_0 : i32, i32
  }
  func.func @transform_10(%arg0: i32) -> (i32, i32) {
    %c0_i32 = arith.constant 0 : i32
    %c0_i32_0 = arith.constant 0 : i32
    %c0_i32_1 = arith.constant 0 : i32
    return %c0_i32, %c0_i32_0 : i32, i32
  }
  func.func @transform_11(%arg0: i32) -> (i32, i32) {
    %c0_i32 = arith.constant 0 : i32
    %c0_i32_0 = arith.constant 0 : i32
    %c0_i32_1 = arith.constant 0 : i32
    return %c0_i32, %c0_i32_0 : i32, i32
  }
  func.func @transform_12(%arg0: i32) -> (i32, i32) {
    %c0_i32 = arith.constant 0 : i32
    %c0_i32_0 = arith.constant 0 : i32
    %c0_i32_1 = arith.constant 0 : i32
    return %c0_i32, %c0_i32_0 : i32, i32
  }
  func.func @transform_13(%arg0: i32) -> (i32, i32) {
    %c0_i32 = arith.constant 0 : i32
    %c0_i32_0 = arith.constant 0 : i32
    return %arg0, %c0_i32 : i32, i32
  }
}

</mosaic_0001>

<sc_bundles>
// kernel: kernel.10.cloned.1.call-start
scs
__scs_entry_jumppad:
0x0: {  	(pc) =	sbr.rel $0x88, $3  }
0x1: {  	(tag) =	ssettag $0x0;
	lr =	simm.s32 $0x1  }
0x2: {  	[smem:$0x3F92] =	sst lr;
	_ =	strace $0xD0000000  }
0x3: {  	_ = 	snop  }
0x4: {  	_ = 	snop  }
0x5: {  	_ = 	snop  }
0x6: {  	_ = 	snop  }
0x7: {  	_ = 	snop  }
__scs_overlays_trampoline_lowered:
0x8: {  	[smem:$0x3FA1] =	sst s0  }
0x9: {  	[smem:$0x3FA2] =	sst s1  }
0xa: {  	[smem:$0x3FA3] =	sst s2  }
0xb: {  	[smem:$0x3FA4] =	sst s3  }
0xc: {  	[smem:$0x3FA5] =	sst s4  }
0xd: {  	[smem:$0x3FA6] =	sst s5  }
0xe: {  	[smem:$0x3FA7] =	sst s6  }
0xf: {  	[smem:$0x3FA8] =	sst s7  }
0x10: {  	[smem:$0x3FA9] =	sst s8  }
0x11: {  	[smem:$0x3FAA] =	sst s9;
	s0 =	simm.s32 @!p0 $0x0  }
0x12: {  	s1 =	sld [smem:$0x3F90];
	s0 =	simm.s32 @p0 $0x1  }
0x13: {  	[smem:$0x3FAB] =	sst s0;
	s0 =	simm.s32 @!p1 $0x0  }
0x14: {  	s2 =	sld [smem:$0x3F8F];
	s0 =	simm.s32 @p1 $0x1  }
0x15: {  	[smem:$0x3FAC] =	sst s0;
	s0 =	simm.s32 @!p2 $0x0  }
0x16: {  	s3 =	sld [smem:$0x3FDB];
	s0 =	simm.s32 @p2 $0x1  }
0x17: {  	s4 =	simm.s32 $0x1BF5;
	[smem:$0x3FAE] =	sst s0  }
0x18: {  	s0 =	sld [smem:$0x3F91];
	_ =	swait.ge [sflag:s4], $0x0  }
0x19: {  	s7 =	sld [smem:$0x3F92]  }
0x1a: {  	s8 =	sadd.s32 $0xFFFFE003, lr  }
0x1b: {  	s9 =	sadd.s32 $0xFFFFFEF7, lr;
	s5 =	simm.s32 $0xFFFFFFFF;
	p2 =	slt.u32 s8, $0xFFFFF086  }
0x1c: {  	p1 =	slt.u32 s9, $0xF7A;
	s5 =	simm.s32 @!p2 $0x0  }
0x1d: {  	s5 =	simm.s32 @p1 $0x1;
	p0 =	seq.s32 s7, s2  }
0x1e: {  	s7 =	smul.u32 @!p0 $0xF7A, s2;
	p2 =	seq.s32 @!p0 s5, $0x0  }
0x1f: {  	s9 =	smul.u32 $0xF7A, s1;
	s8 =	simm.s32 @!p0 $0x1BF5;
	p2 =	por !p2, p0  }
0x20: {  	[sflag:s8] =	ssyncset.s32 @!p0 $0xFFFFF086;
	s6 =	sadd.s32 @!p0 s3, s7;
	s7 =	simm.s32 @!p0 $0x108  }
0x21: {  	s3 =	sadd.s32 s3, s9;
	s6 =	sadd.s32 @!p0 $0x88, s6;
	s7 =	simm.s32 @p2 $0x1082  }
0x22: {  	[simem:s7], [sflag:s8] =	dma.local @!p0 [hbm:s6], $0xF7A  }
0x23: {  	s9 =	sor.u32 $0xD0000000, s2;
	s6 =	simm.s32 $0x108;
	_ =	swait.ge @!p0 [sflag:s8], $0x0  }
0x24: {  	s3 =	sadd.s32 $0x88, s3;
	s6 =	simm.s32 @!p1 $0x1082;
	[sflag:s4] =	ssyncset.s32 $0xFFFFF086  }
0x25: {  	[simem:s6], [sflag:s4] =	dma.local [hbm:s3], $0xF7A  }
0x26: {  	[smem:$0x3F92] =	sst s1;
	(tag) =	ssettag s2;
	_ =	strace s9  }
0x27: {  	s1 =	sld [smem:$0x3FA2]  }
0x28: {  	s2 =	sld [smem:$0x3FA3]  }
0x29: {  	s4 =	sld [smem:$0x3FA5]  }
0x2a: {  	p0 =	seq.s32 s5, $0x0;
	s5 =	sld [smem:$0x3FA6]  }
0x2b: {  	s6 =	sld [smem:$0x3FA7]  }
0x2c: {  	s7 =	sld [smem:$0x3FA8]  }
0x2d: {  	s3 =	simm.s32 $0x108;
	s8 =	sld [smem:$0x3FA9]  }
0x2e: {  	s3 =	simm.s32 @!p0 $0x1082;
	s9 =	sld [smem:$0x3FAA]  }
0x2f: {  	lr =	sadd.s32 s0, s3;
	s0 =	sld [smem:$0x3FA1]  }
0x30: {  	s3 =	sld [smem:$0x3FA4]  }
0x31: {  	[smem:$0x3FAD] =	sst s10  }
0x32: {  	s10 =	sld [smem:$0x3FAB];
	_ =	sdelay $0x3  }
0x33: {  	p0 =	seq.s32 s10, $0x1;
	s10 =	sld [smem:$0x3FAD];
	_ =	sdelay $0x3  }
0x34: {  	[smem:$0x3FAD] =	sst s10  }
0x35: {  	s10 =	sld [smem:$0x3FAC];
	_ =	sdelay $0x3  }
0x36: {  	p1 =	seq.s32 s10, $0x1;
	s10 =	sld [smem:$0x3FAD];
	_ =	sdelay $0x3  }
0x37: {  	[smem:$0x3FAD] =	sst s10  }
0x38: {  	s10 =	sld [smem:$0x3FAE]  }
0x39: {  	_ = 	snop;
	(pc) =	sbr.ind lr, $3  }
0x3a: {  	_ = 	snop  }
0x3b: {  	_ = 	snop  }
0x3c: {  	p2 =	seq.s32 s10, $0x1;
	s10 =	sld [smem:$0x3FAD]  }
0x3d: {  	_ =	shalt  }
0x3e: {  	_ =	shalt  }
0x3f: {  	_ =	shalt  }
0x40: {  	_ =	shalt  }
0x41: {  	_ =	shalt  }
0x42: {  	_ =	shalt  }
0x43: {  	_ =	shalt  }
0x44: {  	_ =	shalt  }
0x45: {  	_ =	shalt  }
0x46: {  	_ =	shalt  }
0x47: {  	_ =	shalt  }
0x48: {  	_ =	shalt  }
0x49: {  	_ =	shalt  }
0x4a: {  	_ =	shalt  }
0x4b: {  	_ =	shalt  }
0x4c: {  	_ =	shalt  }
0x4d: {  	_ =	shalt  }
0x4e: {  	_ =	shalt  }
0x4f: {  	_ =	shalt  }
0x50: {  	_ =	shalt  }
0x51: {  	_ =	shalt  }
0x52: {  	_ =	shalt  }
0x53: {  	_ =	shalt  }
0x54: {  	_ =	shalt  }
0x55: {  	_ =	shalt  }
0x56: {  	_ =	shalt  }
0x57: {  	_ =	shalt  }
0x58: {  	_ =	shalt  }
0x59: {  	_ =	shalt  }
0x5a: {  	_ =	shalt  }
0x5b: {  	_ =	shalt  }
0x5c: {  	_ =	shalt  }
0x5d: {  	_ =	shalt  }
0x5e: {  	_ =	shalt  }
0x5f: {  	_ =	shalt  }
0x60: {  	_ =	shalt  }
0x61: {  	_ =	shalt  }
0x62: {  	_ =	shalt  }
0x63: {  	_ =	shalt  }
0x64: {  	_ =	shalt  }
0x65: {  	_ =	shalt  }
0x66: {  	_ =	shalt  }
0x67: {  	_ =	shalt  }
0x68: {  	_ =	shalt  }
0x69: {  	_ =	shalt  }
0x6a: {  	_ =	shalt  }
0x6b: {  	_ =	shalt  }
0x6c: {  	_ =	shalt  }
0x6d: {  	_ =	shalt  }
0x6e: {  	_ =	shalt  }
0x6f: {  	_ =	shalt  }
0x70: {  	_ =	shalt  }
0x71: {  	_ =	shalt  }
0x72: {  	_ =	shalt  }
0x73: {  	_ =	shalt  }
0x74: {  	_ =	shalt  }
0x75: {  	_ =	shalt  }
0x76: {  	_ =	shalt  }
0x77: {  	_ =	shalt  }
0x78: {  	_ =	shalt  }
0x79: {  	_ =	shalt  }
0x7a: {  	_ =	shalt  }
0x7b: {  	_ =	shalt  }
0x7c: {  	_ =	shalt  }
0x7d: {  	_ =	shalt  }
0x7e: {  	_ =	shalt  }
0x7f: {  	_ =	shalt  }
0x80: {  	_ =	shalt  }
0x81: {  	_ =	shalt  }
0x82: {  	_ =	shalt  }
0x83: {  	_ =	shalt  }
0x84: {  	_ =	shalt  }
0x85: {  	_ =	shalt  }
0x86: {  	_ =	shalt  }
0x87: {  	_ =	shalt  }
.Lfunc_end0:
.L_simem_size_0:
called_computation_lowered:
.L_overlay_start_0:
0x88: {  	s2 =	sld [smem:$0x3FD9]  }
0x89: {  	s3 =	sld [smem:$0x3FFE];
	_ =	sdelay $0x1  }
0x8a: {  	s1 =	srdreg.scid  }
0x8b: {  	s0 =	sand.u32 $0x1, s1  }
0x8c: {  	s16 =	sshll.u32 s0, $0xA;
	s2 =	sadd.s32 s3, s2  }
0x8d: {  	s2 =	sadd.s32 s2, s16  }
0x8e: {  	[smem:$0x3FB9] =	sst s2  }
0x8f: {  	_ = 	snop  }
0x90: {  	(tm) =	ssettm $0x1  }
0x91: {  	s17 =	sld [smem:$0x3FFB];
	_ =	sdelay $0x3  }
0x92: {  	_ =	strace s17  }
0x93: {  	s2 =	sld [smem:$0x3FFC];
	_ =	sdelay $0x3  }
0x94: {  	_ =	strace s2  }
0x95: {  	s2 =	sld [smem:$0x3FFD];
	_ =	sdelay $0x3  }
0x96: {  	_ =	strace s2  }
0x97: {  	_ =	strace $0x8FFFFFFF  }
0x98: {  	s18 =	sld [smem:$0x3FDB];
	_ =	sdelay $0x1  }
0x99: {  	s19 =	simm.s32 $_scs_section_size  }
0x9a: {  	s4 =	simm.s32 $_size__tile_overlayer_lowered;
	s5 =	simm.s32 $_tile_overlayer_lowered  }
0x9b: {  	s22 =	simm.s32 $0x1BFF;
	s21 =	sshll.u32 s5, $0x1;
	s2 =	sadd.s32 s19, s18  }
0x9c: {  	s6 =	simm.s32 $0x0;
	s20 =	sshll.u32 s4, $0x1;
	s4 =	sadd.s32 s21, s2  }
0x9d: {  	[timem:s6], [sflag:s22] =	dma.local [hbm:s4], s20  }
0x9e: {  	_ =	swait.ge [sflag:s22], s20  }
0x9f: {  	s3 =	ssub.s32 $0x0, s20;
	[sflag:s22] =	ssyncset.done $0x0  }
0xa0: {  	[sflag:s22] =	ssyncadd.s32 s3;
	_ =	sdelay $0x1  }
0xa1: {  	s23 =	simm.s32 $0x1B8B  }
0xa2: {  	_ =	swait.ge [sflag:s23], $0x1  }
0xa3: {  	[sflag:s23] =	ssyncset.done $0x0  }
0xa4: {  	s25 =	simm.s32 $0x1B8E;
	s24 =	sld [smem:$0x3FFE];
	[sflag:s23] =	ssyncadd.s32 $0xFFFFFFFF  }
0xa5: {  	s26 =	simm.s32 $execute0_lowered;
	[smem:$0x3FD2] =	sst s25  }
0xa6: {  	s4 =	sshll.u32 s26, $0x1;
	_ =	strace $0x80000046;
	[dreg:$0x1] =	wrdreg $0xFFFFFFFF  }
0xa7: {  	s28 =	simm.s32 $_size_execute0_lowered;
	s2 =	sadd.s32 s2, s4;
	[dreg:$0x0] =	wrdreg $0x0  }
0xa8: {  	s4 =	sshll.u32 s28, $0x1;
	[dreg:$0x2] =	wrdreg s2  }
0xa9: {  	[dreg:$0x3] =	wrdreg s4  }
0xaa: {  	[dreg:$0x4] =	wrdreg $0xC0  }
0xab: {  	_ =	task [dreg:s6], $0x5FFFF  }
0xac: {  	[dreg:$0x1] =	wrdreg $0xFFFFFFFF  }
0xad: {  	[dreg:$0x0] =	wrdreg $0x60  }
0xae: {  	[dreg:$0x2] =	wrdreg s24  }
0xaf: {  	[dreg:$0x3] =	wrdreg $0x9  }
0xb0: {  	_ =	task.clear_ibuf [dreg:s6], $0x4FFFF;
	_ =	strace $0x90000046  }
0xb1: {  	s29 =	simm.s32 $0x9;
	_ =	strace $0x80000048  }
0xb2: {  	_ =	swait.ge [sflag:s29], $0x1  }
0xb3: {  	[sflag:s29] =	ssyncadd.s32 $0xFFFFFFFF  }
0xb4: {  	_ =	strace $0x90000048  }
0xb5: {  	_ =	sfence  }
0xb6: {  	s30 =	sld [smem:$0x0];
	_ =	sdelay $0x2  }
0xb7: {  	s31 =	sshll.u32 s1, $0xD;
	s1 =	sshrl.u32 s1, $0x2  }
0xb8: {  	s3 =	sand.u32 $0x4000, s31;
	s1 =	sadd.s32 s1, s30  }
0xb9: {  	s0 =	sor.u32 s3, s0;
	s1 =	sshll.u32 s1, $0x11  }
0xba: {  	s0 =	sor.u32 s1, s0  }
0xbb: {  	s0 =	sadd.s32 $0x8F2B, s0  }
0xbc: {  	[sflag:s0] =	ssyncadd.remote.s32 $0x1  }
0xbd: {  	_ =	sfence.sel $0xFFFF  }
0xbe: {  	[dreg:$0x0] =	wrdreg $0xFFFFFFFF;
	(pc) =	sbr.abs _section_cstart, $3  }
0xbf: {  	[dreg:$0x1] =	wrdreg $0xFFFFFFFF  }
0xc0: {  	_ =	task.clear_ibuf [dreg:s6], $0x2FFFF;
	_ =	strace $0x9FFFFFFF  }
0xc1: {  	(tm) =	ssettm $0x7FFFFFFF  }
tec
execute0_lowered:
.L_overlay_start_1:
0x0: {  	(tag) =	ssettag $0x1  }
0x1: {  	s1 =	srdreg.scid  }
0x2: {  	s0 =	stileid.u32;
	s5 =	rddreg [dreg:$0x0];
	s2 =	simm.s32 $0x0  }
0x3: {  	s14 =	simm.s32 $0x20;
	s15 =	simm.s32 $0xE40;
	s16 =	simm.s32 $0x1  }
0x4: {  	s17 =	simm.s32 $0x2;
	s18 =	simm.s32 $0x620;
	s19 =	simm.s32 $0x1640  }
0x5: {  	s20 =	simm.s32 $0x1660;
	s10 =	sand.u32 $0x1, s1;
	s1 =	rddreg [dreg:$0x1]  }
0x6: {  	s21 =	simm.s32 $0x0;
	s3 =	sshll.u32 s0, $0x1;
	[smem:$0x7FF] =	sst s2  }
0x7: {  	s12 =	sadd.s32 $0x8E00, s5;
	s30 =	sshll.u32 s0, $0x9;
	s6 =	sor.u32 s10, s3  }
0x8: {  	_ =	strace $0x80000047;
	s3 =	sadd.s32 $0x250C00, s5;
	s9 =	ssub.s32 $0x2, s10  }
0x9: {  	s31 =	sshll.u32 s10, $0x8;
	s4 =	smul.u32 $0xC8, s6;
	s7 =	sshll.u32 s6, $0x2  }
0xa: {  	s6 =	sshll.u32 s6, $0x8;
	s11 =	sshrl.u32 s9, $0x1;
	s7 =	sadd.s32 s7, s5  }
0xb: {  	s13 =	sadd.s32 s6, s5;
	s9 =	ssub.s32 s9, s11;
	s29 =	sadd.s32 s12, s6  }
0xc: {  	s12 =	sadd.s32 s30, s12;
	s8 =	sadd.s32 s4, s5;
	s4 =	sadd.s32 $0x18D600, s5  }
0xd: {  	s6 =	sadd.s32 $0x8600, s7;
	s7 =	sadd.s32 $0x6CE00, s13;
	s10 =	sadd.s32 $0x62000, s29  }
0xe: {  	s11 =	sadd.s32 s31, s12;
	s12 =	simm.s32 $0x3;
	s13 =	simm.s32 $0x640  }
0xf: {  	s5 =	sadd.s32 $0x6C00, s8;
	s8 =	smax.u32 s9, $0x1;
	s9 =	sadd.s32 $0x60000, s29  }
.LBB2_1:
0x10: {  	[tilespmem:s2], [sflag:$0x3] =	stream.linear.gather [hbm4b:s5+s2], $0x640, $0x38;
	[tilespmem:$0x1E60] =	vst v63  }
0x11: {  	_ =	swait.ge [sflag:s12], $0x640  }
0x12: {  	[sflag:s12] =	ssyncset.done $0x0  }
0x13: {  	[sflag:s12] =	ssyncadd.s32 $0xFFFFF9C0  }
0x14: {  	[tilespmem:s13], [sflag:$0x1] =	stream.indirect.gather [hbm4b:s3+s14], $0x40, s2, s14, $0xb8;
	[tilespmem:$0x1E60] =	vst v63  }
0x15: {  	_ = 	snop  }
0x16: {  	[tilespmem:s15], [sflag:$0x2] =	stream.indirect.gather [hbm4b:s3+s14], $0x40, s14, s14, $0xb8;
	[tilespmem:$0x1E60] =	vst v63  }
0x17: {  	_ =	swait.ge [sflag:s16], $0x800  }
0x18: {  	[sflag:s16] =	ssyncset.done $0x0  }
0x19: {  	s22 =	sadd.s32 $0x0, s11;
	[sflag:s16] =	ssyncadd.s32 $0xFFFFF800  }
0x1a: {  	[hbm4b:s22+s2] =	stream.linear.scatter [tilespmem:s13], [sflag:$0x3], $0x800, $0x38;
	[tilespmem:$0x1E60] =	vst v63  }
0x1b: {  	_ =	swait.ge [sflag:s12], $0x800  }
0x1c: {  	[sflag:s12] =	ssyncset.done $0x0  }
0x1d: {  	s23 =	simm.s32 $0x40;
	[sflag:s12] =	ssyncadd.s32 $0xFFFFF800  }
0x1e: {  	[tilespmem:s13], [sflag:$0x1] =	stream.indirect.gather [hbm4b:s3+s14], $0x40, s23, s14, $0xb8;
	[tilespmem:$0x1E60] =	vst v63  }
0x1f: {  	_ =	swait.ge [sflag:s17], $0x800  }
0x20: {  	[sflag:s17] =	ssyncset.done $0x0  }
0x21: {  	s22 =	sadd.s32 $0x2000, s22;
	[sflag:s17] =	ssyncadd.s32 $0xFFFFF800  }
0x22: {  	[hbm4b:s22+s2] =	stream.linear.scatter [tilespmem:s15], [sflag:$0x3], $0x800, $0x38;
	[tilespmem:$0x1E60] =	vst v63  }
0x23: {  	_ =	swait.ge [sflag:s12], $0x800  }
0x24: {  	s23 =	simm.s32 $0x20;
	s22 =	simm.s32 $0x4000;
	[sflag:s12] =	ssyncset.done $0x0  }
.LBB2_2:
0x25: {  	p0 =	sne.s32 s22, $0x5C000;
	[sflag:s12] =	ssyncadd.s32 $0xFFFFF800;
	s23 =	sadd.s32 $0x40, s23  }
0x26: {  	[tilespmem:s15], [sflag:$0x2] =	stream.indirect.gather [hbm4b:s3+s14], $0x40, s23, s14, $0xb8;
	[tilespmem:$0x1E60] =	vst v63  }
0x27: {  	s24 =	smov.u32 s22;
	s22 =	sadd.s32 $0x4000, s22;
	_ =	swait.ge [sflag:s16], $0x800  }
0x28: {  	[sflag:s16] =	ssyncset.done $0x0  }
0x29: {  	s24 =	sadd.s32 s24, s11;
	[sflag:s16] =	ssyncadd.s32 $0xFFFFF800  }
0x2a: {  	[hbm4b:s24+s2] =	stream.linear.scatter [tilespmem:s13], [sflag:$0x3], $0x800, $0x38;
	[tilespmem:$0x1E60] =	vst v63  }
0x2b: {  	_ =	swait.ge [sflag:s12], $0x800  }
0x2c: {  	[sflag:s12] =	ssyncset.done $0x0  }
0x2d: {  	s25 =	sadd.s32 $0x20, s23;
	[sflag:s12] =	ssyncadd.s32 $0xFFFFF800  }
0x2e: {  	[tilespmem:s13], [sflag:$0x1] =	stream.indirect.gather [hbm4b:s3+s14], $0x40, s25, s14, $0xb8;
	[tilespmem:$0x1E60] =	vst v63  }
0x2f: {  	_ =	swait.ge [sflag:s17], $0x800  }
.Ltmp0:
0x30: {  	[sflag:s17] =	ssyncset.done $0x0;
	(pc) =	sbr.rel @p0 .LBB2_2-.Ltmp0, $4  }
0x31: {  	s24 =	sadd.s32 $0x2000, s24;
	[sflag:s17] =	ssyncadd.s32 $0xFFFFF800  }
0x32: {  	[hbm4b:s24+s2] =	stream.linear.scatter [tilespmem:s15], [sflag:$0x3], $0x800, $0x38;
	[tilespmem:$0x1E60] =	vst v63  }
0x33: {  	_ =	swait.ge [sflag:s12], $0x800  }
0x34: {  	[sflag:s12] =	ssyncset.done $0x0  }
0x35: {  	[sflag:s12] =	ssyncadd.s32 $0xFFFFF800  }
0x36: {  	[tilespmem:s15], [sflag:$0x2] =	stream.indirect.gather [hbm4b:s3+s14], $0x40, s18, s14, $0xb8;
	[tilespmem:$0x1E60] =	vst v63  }
0x37: {  	_ =	swait.ge [sflag:s16], $0x800  }
0x38: {  	[sflag:s16] =	ssyncset.done $0x0  }
0x39: {  	[sflag:s16] =	ssyncadd.s32 $0xFFFFF800  }
0x3a: {  	[hbm4b:s9+s2] =	stream.linear.scatter [tilespmem:s13], [sflag:$0x3], $0x800, $0x38;
	[tilespmem:$0x1E60] =	vst v63  }
0x3b: {  	_ =	swait.ge [sflag:s12], $0x800  }
0x3c: {  	[sflag:s12] =	ssyncset.done $0x0  }
0x3d: {  	[sflag:s12] =	ssyncadd.s32 $0xFFFFF800  }
0x3e: {  	_ =	swait.ge [sflag:s17], $0x800  }
0x3f: {  	[sflag:s17] =	ssyncset.done $0x0  }
0x40: {  	[sflag:s17] =	ssyncadd.s32 $0xFFFFF800  }
0x41: {  	[hbm4b:s10+s2] =	stream.linear.scatter [tilespmem:s15], [sflag:$0x3], $0x800, $0x38;
	[tilespmem:$0x1E60] =	vst v63  }
0x42: {  	_ =	swait.ge [sflag:s12], $0x800  }
0x43: {  	[sflag:s12] =	ssyncset.done $0x0  }
0x44: {  	[sflag:s12] =	ssyncadd.s32 $0xFFFFF800  }
0x45: {  	[tilespmem:s19], [sflag:$0x3] =	stream.linear.gather [hbm4b:s6+s2], $0x20, $0x38;
	[tilespmem:$0x1E60] =	vst v63  }
0x46: {  	_ =	swait.ge [sflag:s12], $0x20  }
0x47: {  	[sflag:s12] =	ssyncset.done $0x0  }
0x48: {  	[sflag:s12] =	ssyncadd.s32 $0xFFFFFFE0  }
0x49: {  	[tilespmem:s20], [sflag:$0x1] =	stream.indirect.gather [hbm4b:s4+s14], $0x40, s19, s14, $0xb8;
	[tilespmem:$0x1E60] =	vst v63  }
0x4a: {  	s21 =	sadd.s32 $0x1, s21;
	_ =	swait.ge [sflag:s16], $0x800  }
0x4b: {  	p0 =	sne.s32 s21, s8;
	[sflag:s16] =	ssyncset.done $0x0  }
.Ltmp1:
0x4c: {  	[sflag:s16] =	ssyncadd.s32 $0xFFFFF800;
	(pc) =	sbr.rel @p0 .LBB2_1-.Ltmp1, $4  }
0x4d: {  	[hbm4b:s7+s2] =	stream.linear.scatter [tilespmem:s20], [sflag:$0x3], $0x800, $0x38;
	[tilespmem:$0x1E60] =	vst v63  }
0x4e: {  	_ =	swait.ge [sflag:s12], $0x800  }
0x4f: {  	[sflag:s12] =	ssyncset.done $0x0  }
0x50: {  	[sflag:s12] =	ssyncadd.s32 $0xFFFFF800  }
0x51: {  	_ =	sfence.sel $0x180000  }
0x52: {  	[bflag:$0x0] =	sbarrier.arrive $0xFFFF  }
0x53: {  	p0 =	sne.s32 s0, $0x0;
	_ =	strace $0x90000047  }
0x54: {  	s0 =	sadd.s32 @!p0 $0x100000, s1;
	[bflag:$0x2] =	sbarrier.arrive $0xFFFF  }
0x55: {  	[sflag:s0] =	ssyncadd.tile.s32 @!p0 $0x1;
	_ =	shalt  }
.Lfunc_end2:
_tile_overlayer_lowered:
.L_overlay_start_2:
0x56: {  	(tag) =	ssettag $0x2  }
0x57: {  	s0 =	rddreg [dreg:$0x0];
	s2 =	stileid.u32  }
0x58: {  	s1 =	rddreg [dreg:$0x1];
	p0 =	sne.s32 s2, $0x0  }
0x59: {  	s3 =	rddreg [dreg:$0x2];
	[bflag:$0x3] =	sbarrier.arrive $0xFFFF;
	s2 =	simm.s32 @!p0 $0x1C03  }
0x5a: {  	[timem:s3], [sflag:s2] =	dma.local @!p0 [hbm:s0], s1  }
0x5b: {  	s0 =	simm.s32 @!p0 $0x3  }
0x5c: {  	_ =	swait.ge @!p0 [sflag:s0], s1  }
0x5d: {  	s1 =	ssub.s32 @!p0 $0x0, s1;
	[sflag:s0] =	ssyncset.done @!p0 $0x0  }
0x5e: {  	[sflag:s0] =	ssyncadd.s32 @!p0 s1  }
0x5f: {  	[bflag:$0x3] =	sbarrier.arrive $0xFFFF  }
0x60: {  	_ =	shalt  }

// kernel: kernel.13.cloned.1.call-start
scs
__scs_entry_jumppad:
0x0: {  	(pc) =	sbr.rel $0x88, $3  }
0x1: {  	(tag) =	ssettag $0x0;
	lr =	simm.s32 $0x1  }
0x2: {  	[smem:$0x3F92] =	sst lr;
	_ =	strace $0xD0000000  }
0x3: {  	_ = 	snop  }
0x4: {  	_ = 	snop  }
0x5: {  	_ = 	snop  }
0x6: {  	_ = 	snop  }
0x7: {  	_ = 	snop  }
__scs_overlays_trampoline_lowered:
0x8: {  	[smem:$0x3FA1] =	sst s0  }
0x9: {  	[smem:$0x3FA2] =	sst s1  }
0xa: {  	[smem:$0x3FA3] =	sst s2  }
0xb: {  	[smem:$0x3FA4] =	sst s3  }
0xc: {  	[smem:$0x3FA5] =	sst s4  }
0xd: {  	[smem:$0x3FA6] =	sst s5  }
0xe: {  	[smem:$0x3FA7] =	sst s6  }
0xf: {  	[smem:$0x3FA8] =	sst s7  }
0x10: {  	[smem:$0x3FA9] =	sst s8  }
0x11: {  	[smem:$0x3FAA] =	sst s9;
	s0 =	simm.s32 @!p0 $0x0  }
0x12: {  	s1 =	sld [smem:$0x3F90];
	s0 =	simm.s32 @p0 $0x1  }
0x13: {  	[smem:$0x3FAB] =	sst s0;
	s0 =	simm.s32 @!p1 $0x0  }
0x14: {  	s2 =	sld [smem:$0x3F8F];
	s0 =	simm.s32 @p1 $0x1  }
0x15: {  	[smem:$0x3FAC] =	sst s0;
	s0 =	simm.s32 @!p2 $0x0  }
0x16: {  	s3 =	sld [smem:$0x3FDB];
	s0 =	simm.s32 @p2 $0x1  }
0x17: {  	s4 =	simm.s32 $0x1BF5;
	[smem:$0x3FAE] =	sst s0  }
0x18: {  	s0 =	sld [smem:$0x3F91];
	_ =	swait.ge [sflag:s4], $0x0  }
0x19: {  	s7 =	sld [smem:$0x3F92]  }
0x1a: {  	s8 =	sadd.s32 $0xFFFFE003, lr  }
0x1b: {  	s9 =	sadd.s32 $0xFFFFFEF7, lr;
	s5 =	simm.s32 $0xFFFFFFFF;
	p2 =	slt.u32 s8, $0xFFFFF086  }
0x1c: {  	p1 =	slt.u32 s9, $0xF7A;
	s5 =	simm.s32 @!p2 $0x0  }
0x1d: {  	s5 =	simm.s32 @p1 $0x1;
	p0 =	seq.s32 s7, s2  }
0x1e: {  	s7 =	smul.u32 @!p0 $0xF7A, s2;
	p2 =	seq.s32 @!p0 s5, $0x0  }
0x1f: {  	s9 =	smul.u32 $0xF7A, s1;
	s8 =	simm.s32 @!p0 $0x1BF5;
	p2 =	por !p2, p0  }
0x20: {  	[sflag:s8] =	ssyncset.s32 @!p0 $0xFFFFF086;
	s6 =	sadd.s32 @!p0 s3, s7;
	s7 =	simm.s32 @!p0 $0x108  }
0x21: {  	s3 =	sadd.s32 s3, s9;
	s6 =	sadd.s32 @!p0 $0x88, s6;
	s7 =	simm.s32 @p2 $0x1082  }
0x22: {  	[simem:s7], [sflag:s8] =	dma.local @!p0 [hbm:s6], $0xF7A  }
0x23: {  	s9 =	sor.u32 $0xD0000000, s2;
	s6 =	simm.s32 $0x108;
	_ =	swait.ge @!p0 [sflag:s8], $0x0  }
0x24: {  	s3 =	sadd.s32 $0x88, s3;
	s6 =	simm.s32 @!p1 $0x1082;
	[sflag:s4] =	ssyncset.s32 $0xFFFFF086  }
0x25: {  	[simem:s6], [sflag:s4] =	dma.local [hbm:s3], $0xF7A  }
0x26: {  	[smem:$0x3F92] =	sst s1;
	(tag) =	ssettag s2;
	_ =	strace s9  }
0x27: {  	s1 =	sld [smem:$0x3FA2]  }
0x28: {  	s2 =	sld [smem:$0x3FA3]  }
0x29: {  	s4 =	sld [smem:$0x3FA5]  }
0x2a: {  	p0 =	seq.s32 s5, $0x0;
	s5 =	sld [smem:$0x3FA6]  }
0x2b: {  	s6 =	sld [smem:$0x3FA7]  }
0x2c: {  	s7 =	sld [smem:$0x3FA8]  }
0x2d: {  	s3 =	simm.s32 $0x108;
	s8 =	sld [smem:$0x3FA9]  }
0x2e: {  	s3 =	simm.s32 @!p0 $0x1082;
	s9 =	sld [smem:$0x3FAA]  }
0x2f: {  	lr =	sadd.s32 s0, s3;
	s0 =	sld [smem:$0x3FA1]  }
0x30: {  	s3 =	sld [smem:$0x3FA4]  }
0x31: {  	[smem:$0x3FAD] =	sst s10  }
0x32: {  	s10 =	sld [smem:$0x3FAB];
	_ =	sdelay $0x3  }
0x33: {  	p0 =	seq.s32 s10, $0x1;
	s10 =	sld [smem:$0x3FAD];
	_ =	sdelay $0x3  }
0x34: {  	[smem:$0x3FAD] =	sst s10  }
0x35: {  	s10 =	sld [smem:$0x3FAC];
	_ =	sdelay $0x3  }
0x36: {  	p1 =	seq.s32 s10, $0x1;
	s10 =	sld [smem:$0x3FAD];
	_ =	sdelay $0x3  }
0x37: {  	[smem:$0x3FAD] =	sst s10  }
0x38: {  	s10 =	sld [smem:$0x3FAE]  }
0x39: {  	_ = 	snop;
	(pc) =	sbr.ind lr, $3  }
0x3a: {  	_ = 	snop  }
0x3b: {  	_ = 	snop  }
0x3c: {  	p2 =	seq.s32 s10, $0x1;
	s10 =	sld [smem:$0x3FAD]  }
0x3d: {  	_ =	shalt  }
0x3e: {  	_ =	shalt  }
0x3f: {  	_ =	shalt  }
0x40: {  	_ =	shalt  }
0x41: {  	_ =	shalt  }
0x42: {  	_ =	shalt  }
0x43: {  	_ =	shalt  }
0x44: {  	_ =	shalt  }
0x45: {  	_ =	shalt  }
0x46: {  	_ =	shalt  }
0x47: {  	_ =	shalt  }
0x48: {  	_ =	shalt  }
0x49: {  	_ =	shalt  }
0x4a: {  	_ =	shalt  }
0x4b: {  	_ =	shalt  }
0x4c: {  	_ =	shalt  }
0x4d: {  	_ =	shalt  }
0x4e: {  	_ =	shalt  }
0x4f: {  	_ =	shalt  }
0x50: {  	_ =	shalt  }
0x51: {  	_ =	shalt  }
0x52: {  	_ =	shalt  }
0x53: {  	_ =	shalt  }
0x54: {  	_ =	shalt  }
0x55: {  	_ =	shalt  }
0x56: {  	_ =	shalt  }
0x57: {  	_ =	shalt  }
0x58: {  	_ =	shalt  }
0x59: {  	_ =	shalt  }
0x5a: {  	_ =	shalt  }
0x5b: {  	_ =	shalt  }
0x5c: {  	_ =	shalt  }
0x5d: {  	_ =	shalt  }
0x5e: {  	_ =	shalt  }
0x5f: {  	_ =	shalt  }
0x60: {  	_ =	shalt  }
0x61: {  	_ =	shalt  }
0x62: {  	_ =	shalt  }
0x63: {  	_ =	shalt  }
0x64: {  	_ =	shalt  }
0x65: {  	_ =	shalt  }
0x66: {  	_ =	shalt  }
0x67: {  	_ =	shalt  }
0x68: {  	_ =	shalt  }
0x69: {  	_ =	shalt  }
0x6a: {  	_ =	shalt  }
0x6b: {  	_ =	shalt  }
0x6c: {  	_ =	shalt  }
0x6d: {  	_ =	shalt  }
0x6e: {  	_ =	shalt  }
0x6f: {  	_ =	shalt  }
0x70: {  	_ =	shalt  }
0x71: {  	_ =	shalt  }
0x72: {  	_ =	shalt  }
0x73: {  	_ =	shalt  }
0x74: {  	_ =	shalt  }
0x75: {  	_ =	shalt  }
0x76: {  	_ =	shalt  }
0x77: {  	_ =	shalt  }
0x78: {  	_ =	shalt  }
0x79: {  	_ =	shalt  }
0x7a: {  	_ =	shalt  }
0x7b: {  	_ =	shalt  }
0x7c: {  	_ =	shalt  }
0x7d: {  	_ =	shalt  }
0x7e: {  	_ =	shalt  }
0x7f: {  	_ =	shalt  }
0x80: {  	_ =	shalt  }
0x81: {  	_ =	shalt  }
0x82: {  	_ =	shalt  }
0x83: {  	_ =	shalt  }
0x84: {  	_ =	shalt  }
0x85: {  	_ =	shalt  }
0x86: {  	_ =	shalt  }
0x87: {  	_ =	shalt  }
.Lfunc_end0:
.L_simem_size_0:
called_computation.1_lowered:
.L_overlay_start_0:
0x88: {  	s2 =	sld [smem:$0x3FD9]  }
0x89: {  	s3 =	sld [smem:$0x3FFE];
	_ =	sdelay $0x1  }
0x8a: {  	s1 =	srdreg.scid  }
0x8b: {  	s0 =	sand.u32 $0x1, s1  }
0x8c: {  	s17 =	sshll.u32 s0, $0xA;
	s2 =	sadd.s32 s3, s2  }
0x8d: {  	s2 =	sadd.s32 s2, s17  }
0x8e: {  	[smem:$0x3FB9] =	sst s2  }
0x8f: {  	_ = 	snop  }
0x90: {  	(tm) =	ssettm $0x1  }
0x91: {  	s18 =	sld [smem:$0x3FFB];
	_ =	sdelay $0x3  }
0x92: {  	_ =	strace s18  }
0x93: {  	s2 =	sld [smem:$0x3FFC];
	_ =	sdelay $0x3  }
0x94: {  	_ =	strace s2  }
0x95: {  	s2 =	sld [smem:$0x3FFD];
	_ =	sdelay $0x3  }
0x96: {  	_ =	strace s2  }
0x97: {  	_ =	strace $0x8FFFFFFF  }
0x98: {  	s19 =	sld [smem:$0x3FDB];
	_ =	sdelay $0x1  }
0x99: {  	s20 =	simm.s32 $_scs_section_size  }
0x9a: {  	s4 =	simm.s32 $_size__tile_overlayer_lowered;
	s5 =	simm.s32 $_tile_overlayer_lowered  }
0x9b: {  	s6 =	simm.s32 $0x1BFF;
	s21 =	sshll.u32 s5, $0x1;
	s3 =	sadd.s32 s20, s19  }
0x9c: {  	s22 =	simm.s32 $0x0;
	s4 =	sshll.u32 s4, $0x1;
	s5 =	sadd.s32 s21, s3  }
0x9d: {  	[timem:s22], [sflag:s6] =	dma.local [hbm:s5], s4  }
0x9e: {  	_ =	swait.ge [sflag:s6], s4  }
0x9f: {  	s4 =	ssub.s32 $0x0, s4;
	[sflag:s6] =	ssyncset.done $0x0  }
0xa0: {  	[sflag:s6] =	ssyncadd.s32 s4;
	_ =	sdelay $0x1  }
0xa1: {  	s23 =	simm.s32 $0x1B8B  }
0xa2: {  	_ =	swait.ge [sflag:s23], $0x1  }
0xa3: {  	[sflag:s23] =	ssyncset.done $0x0  }
0xa4: {  	[sflag:s23] =	ssyncadd.s32 $0xFFFFFFFF  }
0xa5: {  	s4 =	sld [smem:$0x0]  }
0xa6: {  	s5 =	sand.u32 $0xFFFFFFFE, s1  }
0xa7: {  	p0 =	sne.s32 s1, s5  }
0xa8: {  	s5 =	sshll.u32 @p0 s5, $0xE  }
0xa9: {  	s5 =	sadd.s32 @p0 $0x11B8D, s5;
	s6 =	sshll.u32 @p0 s4, $0x11  }
0xaa: {  	s5 =	sor.u32 @p0 s6, s5  }
0xab: {  	[sflag:s5] =	ssyncadd.remote.s32 @p0 $0x1;
	_ =	sdelay $0x1  }
0xac: {  	s5 =	simm.s32 @p0 $0x1B8D  }
0xad: {  	_ =	swait.eq @p0 [sflag:s5], $0x1  }
0xae: {  	[sflag:s5] =	ssyncadd.s32 @p0 $0xFFFFFFFF  }
0xaf: {  	s6 =	sshll.u32 @!p0 s1, $0xE  }
0xb0: {  	s6 =	sor.u32 @!p0 $0x4000, s6;
	s5 =	simm.s32 @!p0 $0x1B8D  }
0xb1: {  	s4 =	sshll.u32 @!p0 s4, $0x11;
	s6 =	sadd.s32 @!p0 $0x11B8D, s6;
	_ =	swait.eq @!p0 [sflag:s5], $0x1  }
0xb2: {  	s4 =	sor.u32 @!p0 s4, s6;
	[sflag:s5] =	ssyncadd.s32 @!p0 $0xFFFFFFFF  }
0xb3: {  	s25 =	simm.s32 $0x1B8E;
	s24 =	sld [smem:$0x3FFE];
	[sflag:s4] =	ssyncadd.remote.s32 @!p0 $0x1  }
0xb4: {  	s26 =	simm.s32 $execute0_lowered;
	[smem:$0x3FD2] =	sst s25  }
0xb5: {  	s5 =	sshll.u32 s26, $0x1;
	_ =	strace $0x80000049;
	[dreg:$0x1] =	wrdreg $0xFFFFFFFF  }
0xb6: {  	s28 =	simm.s32 $_size_execute0_lowered;
	s3 =	sadd.s32 s3, s5;
	[dreg:$0x0] =	wrdreg $0x0  }
0xb7: {  	s5 =	sshll.u32 s28, $0x1;
	[dreg:$0x2] =	wrdreg s3  }
0xb8: {  	[dreg:$0x3] =	wrdreg s5  }
0xb9: {  	[dreg:$0x4] =	wrdreg $0xC0  }
0xba: {  	_ =	task [dreg:s22], $0x5FFFF  }
0xbb: {  	[dreg:$0x1] =	wrdreg $0xFFFFFFFF  }
0xbc: {  	[dreg:$0x0] =	wrdreg $0x60  }
0xbd: {  	[dreg:$0x2] =	wrdreg s24  }
0xbe: {  	[dreg:$0x3] =	wrdreg $0xA  }
0xbf: {  	_ =	task.clear_ibuf [dreg:s22], $0x4FFFF;
	_ =	strace $0x90000049  }
0xc0: {  	s29 =	simm.s32 $0xA;
	_ =	strace $0x8000004B  }
0xc1: {  	_ =	swait.ge [sflag:s29], $0x1  }
0xc2: {  	[sflag:s29] =	ssyncadd.s32 $0xFFFFFFFF  }
0xc3: {  	_ =	strace $0x9000004B  }
0xc4: {  	_ =	sfence  }
0xc5: {  	s30 =	sld [smem:$0x0];
	_ =	sdelay $0x2  }
0xc6: {  	s31 =	sshll.u32 s1, $0xD;
	s1 =	sshrl.u32 s1, $0x2  }
0xc7: {  	s4 =	sand.u32 $0x4000, s31;
	s1 =	sadd.s32 s1, s30  }
0xc8: {  	s0 =	sor.u32 s4, s0;
	s1 =	sshll.u32 s1, $0x11  }
0xc9: {  	s0 =	sor.u32 s1, s0  }
0xca: {  	s0 =	sadd.s32 $0x8F2B, s0  }
0xcb: {  	[sflag:s0] =	ssyncadd.remote.s32 $0x1  }
0xcc: {  	_ =	sfence.sel $0xFFFF  }
0xcd: {  	[dreg:$0x0] =	wrdreg $0xFFFFFFFF;
	(pc) =	sbr.abs _section_cstart, $3  }
0xce: {  	[dreg:$0x1] =	wrdreg $0xFFFFFFFF  }
0xcf: {  	_ =	task.clear_ibuf [dreg:s22], $0x2FFFF;
	_ =	strace $0x9FFFFFFF  }
0xd0: {  	(tm) =	ssettm $0x7FFFFFFF  }
0xd1: {  	_ =	shalt  }
tec
execute0_lowered:
.L_overlay_start_1:
0x0: {  	(tag) =	ssettag $0x1  }
0x1: {  	s1 =	srdreg.scid  }
0x2: {  	s0 =	stileid.u32;
	s5 =	rddreg [dreg:$0x0];
	s2 =	simm.s32 $0x0  }
0x3: {  	s14 =	simm.s32 $0x20;
	s15 =	simm.s32 $0xE40;
	s16 =	simm.s32 $0x1  }
0x4: {  	s17 =	simm.s32 $0x2;
	s18 =	simm.s32 $0x620;
	s19 =	simm.s32 $0x1640  }
0x5: {  	s20 =	simm.s32 $0x1660;
	s10 =	sand.u32 $0x1, s1;
	s1 =	rddreg [dreg:$0x1]  }
0x6: {  	s21 =	simm.s32 $0x0;
	s3 =	sshll.u32 s0, $0x1;
	[smem:$0x7FF] =	sst s2  }
0x7: {  	s12 =	sadd.s32 $0x70800, s5;
	s30 =	sshll.u32 s0, $0x9;
	s6 =	sor.u32 s10, s3  }
0x8: {  	_ =	strace $0x8000004A;
	s3 =	sadd.s32 $0x250C00, s5;
	s9 =	ssub.s32 $0x2, s10  }
0x9: {  	s31 =	sshll.u32 s10, $0x8;
	s4 =	smul.u32 $0xC8, s6;
	s7 =	sshll.u32 s6, $0x2  }
0xa: {  	s6 =	sshll.u32 s6, $0x8;
	s11 =	sshrl.u32 s9, $0x1;
	s7 =	sadd.s32 s7, s5  }
0xb: {  	s13 =	sadd.s32 s6, s5;
	s9 =	ssub.s32 s9, s11;
	s29 =	sadd.s32 s12, s6  }
0xc: {  	s12 =	sadd.s32 s30, s12;
	s8 =	sadd.s32 s4, s5;
	s4 =	sadd.s32 $0x18D600, s5  }
0xd: {  	s6 =	sadd.s32 $0x8800, s7;
	s7 =	sadd.s32 $0xD4800, s13;
	s10 =	sadd.s32 $0x62000, s29  }
0xe: {  	s11 =	sadd.s32 s31, s12;
	s12 =	simm.s32 $0x3;
	s13 =	simm.s32 $0x640  }
0xf: {  	s5 =	sadd.s32 $0x6EE00, s8;
	s8 =	smax.u32 s9, $0x1;
	s9 =	sadd.s32 $0x60000, s29  }
.LBB2_1:
0x10: {  	[tilespmem:s2], [sflag:$0x3] =	stream.linear.gather [hbm4b:s5+s2], $0x640, $0x38;
	[tilespmem:$0x1E60] =	vst v63  }
0x11: {  	_ =	swait.ge [sflag:s12], $0x640  }
0x12: {  	[sflag:s12] =	ssyncset.done $0x0  }
0x13: {  	[sflag:s12] =	ssyncadd.s32 $0xFFFFF9C0  }
0x14: {  	[tilespmem:s13], [sflag:$0x1] =	stream.indirect.gather [hbm4b:s3+s14], $0x40, s2, s14, $0xb8;
	[tilespmem:$0x1E60] =	vst v63  }
0x15: {  	_ = 	snop  }
0x16: {  	[tilespmem:s15], [sflag:$0x2] =	stream.indirect.gather [hbm4b:s3+s14], $0x40, s14, s14, $0xb8;
	[tilespmem:$0x1E60] =	vst v63  }
0x17: {  	_ =	swait.ge [sflag:s16], $0x800  }
0x18: {  	[sflag:s16] =	ssyncset.done $0x0  }
0x19: {  	s22 =	sadd.s32 $0x0, s11;
	[sflag:s16] =	ssyncadd.s32 $0xFFFFF800  }
0x1a: {  	[hbm4b:s22+s2] =	stream.linear.scatter [tilespmem:s13], [sflag:$0x3], $0x800, $0x38;
	[tilespmem:$0x1E60] =	vst v63  }
0x1b: {  	_ =	swait.ge [sflag:s12], $0x800  }
0x1c: {  	[sflag:s12] =	ssyncset.done $0x0  }
0x1d: {  	s23 =	simm.s32 $0x40;
	[sflag:s12] =	ssyncadd.s32 $0xFFFFF800  }
0x1e: {  	[tilespmem:s13], [sflag:$0x1] =	stream.indirect.gather [hbm4b:s3+s14], $0x40, s23, s14, $0xb8;
	[tilespmem:$0x1E60] =	vst v63  }
0x1f: {  	_ =	swait.ge [sflag:s17], $0x800  }
0x20: {  	[sflag:s17] =	ssyncset.done $0x0  }
0x21: {  	s22 =	sadd.s32 $0x2000, s22;
	[sflag:s17] =	ssyncadd.s32 $0xFFFFF800  }
0x22: {  	[hbm4b:s22+s2] =	stream.linear.scatter [tilespmem:s15], [sflag:$0x3], $0x800, $0x38;
	[tilespmem:$0x1E60] =	vst v63  }
0x23: {  	_ =	swait.ge [sflag:s12], $0x800  }
0x24: {  	s23 =	simm.s32 $0x20;
	s22 =	simm.s32 $0x4000;
	[sflag:s12] =	ssyncset.done $0x0  }
.LBB2_2:
0x25: {  	p0 =	sne.s32 s22, $0x5C000;
	[sflag:s12] =	ssyncadd.s32 $0xFFFFF800;
	s23 =	sadd.s32 $0x40, s23  }
0x26: {  	[tilespmem:s15], [sflag:$0x2] =	stream.indirect.gather [hbm4b:s3+s14], $0x40, s23, s14, $0xb8;
	[tilespmem:$0x1E60] =	vst v63  }
0x27: {  	s24 =	smov.u32 s22;
	s22 =	sadd.s32 $0x4000, s22;
	_ =	swait.ge [sflag:s16], $0x800  }
0x28: {  	[sflag:s16] =	ssyncset.done $0x0  }
0x29: {  	s24 =	sadd.s32 s24, s11;
	[sflag:s16] =	ssyncadd.s32 $0xFFFFF800  }
0x2a: {  	[hbm4b:s24+s2] =	stream.linear.scatter [tilespmem:s13], [sflag:$0x3], $0x800, $0x38;
	[tilespmem:$0x1E60] =	vst v63  }
0x2b: {  	_ =	swait.ge [sflag:s12], $0x800  }
0x2c: {  	[sflag:s12] =	ssyncset.done $0x0  }
0x2d: {  	s25 =	sadd.s32 $0x20, s23;
	[sflag:s12] =	ssyncadd.s32 $0xFFFFF800  }
0x2e: {  	[tilespmem:s13], [sflag:$0x1] =	stream.indirect.gather [hbm4b:s3+s14], $0x40, s25, s14, $0xb8;
	[tilespmem:$0x1E60] =	vst v63  }
0x2f: {  	_ =	swait.ge [sflag:s17], $0x800  }
.Ltmp0:
0x30: {  	[sflag:s17] =	ssyncset.done $0x0;
	(pc) =	sbr.rel @p0 .LBB2_2-.Ltmp0, $4  }
0x31: {  	s24 =	sadd.s32 $0x2000, s24;
	[sflag:s17] =	ssyncadd.s32 $0xFFFFF800  }
0x32: {  	[hbm4b:s24+s2] =	stream.linear.scatter [tilespmem:s15], [sflag:$0x3], $0x800, $0x38;
	[tilespmem:$0x1E60] =	vst v63  }
0x33: {  	_ =	swait.ge [sflag:s12], $0x800  }
0x34: {  	[sflag:s12] =	ssyncset.done $0x0  }
0x35: {  	[sflag:s12] =	ssyncadd.s32 $0xFFFFF800  }
0x36: {  	[tilespmem:s15], [sflag:$0x2] =	stream.indirect.gather [hbm4b:s3+s14], $0x40, s18, s14, $0xb8;
	[tilespmem:$0x1E60] =	vst v63  }
0x37: {  	_ =	swait.ge [sflag:s16], $0x800  }
0x38: {  	[sflag:s16] =	ssyncset.done $0x0  }
0x39: {  	[sflag:s16] =	ssyncadd.s32 $0xFFFFF800  }
0x3a: {  	[hbm4b:s9+s2] =	stream.linear.scatter [tilespmem:s13], [sflag:$0x3], $0x800, $0x38;
	[tilespmem:$0x1E60] =	vst v63  }
0x3b: {  	_ =	swait.ge [sflag:s12], $0x800  }
0x3c: {  	[sflag:s12] =	ssyncset.done $0x0  }
0x3d: {  	[sflag:s12] =	ssyncadd.s32 $0xFFFFF800  }
0x3e: {  	_ =	swait.ge [sflag:s17], $0x800  }
0x3f: {  	[sflag:s17] =	ssyncset.done $0x0  }
0x40: {  	[sflag:s17] =	ssyncadd.s32 $0xFFFFF800  }
0x41: {  	[hbm4b:s10+s2] =	stream.linear.scatter [tilespmem:s15], [sflag:$0x3], $0x800, $0x38;
	[tilespmem:$0x1E60] =	vst v63  }
0x42: {  	_ =	swait.ge [sflag:s12], $0x800  }
0x43: {  	[sflag:s12] =	ssyncset.done $0x0  }
0x44: {  	[sflag:s12] =	ssyncadd.s32 $0xFFFFF800  }
0x45: {  	[tilespmem:s19], [sflag:$0x3] =	stream.linear.gather [hbm4b:s6+s2], $0x20, $0x38;
	[tilespmem:$0x1E60] =	vst v63  }
0x46: {  	_ =	swait.ge [sflag:s12], $0x20  }
0x47: {  	[sflag:s12] =	ssyncset.done $0x0  }
0x48: {  	[sflag:s12] =	ssyncadd.s32 $0xFFFFFFE0  }
0x49: {  	[tilespmem:s20], [sflag:$0x1] =	stream.indirect.gather [hbm4b:s4+s14], $0x40, s19, s14, $0xb8;
	[tilespmem:$0x1E60] =	vst v63  }
0x4a: {  	s21 =	sadd.s32 $0x1, s21;
	_ =	swait.ge [sflag:s16], $0x800  }
0x4b: {  	p0 =	sne.s32 s21, s8;
	[sflag:s16] =	ssyncset.done $0x0  }
.Ltmp1:
0x4c: {  	[sflag:s16] =	ssyncadd.s32 $0xFFFFF800;
	(pc) =	sbr.rel @p0 .LBB2_1-.Ltmp1, $4  }
0x4d: {  	[hbm4b:s7+s2] =	stream.linear.scatter [tilespmem:s20], [sflag:$0x3], $0x800, $0x38;
	[tilespmem:$0x1E60] =	vst v63  }
0x4e: {  	_ =	swait.ge [sflag:s12], $0x800  }
0x4f: {  	[sflag:s12] =	ssyncset.done $0x0  }
0x50: {  	[sflag:s12] =	ssyncadd.s32 $0xFFFFF800  }
0x51: {  	_ =	sfence.sel $0x180000  }
0x52: {  	[bflag:$0x0] =	sbarrier.arrive $0xFFFF  }
0x53: {  	p0 =	sne.s32 s0, $0x0;
	_ =	strace $0x9000004A  }
0x54: {  	s0 =	sadd.s32 @!p0 $0x100000, s1;
	[bflag:$0x2] =	sbarrier.arrive $0xFFFF  }
0x55: {  	[sflag:s0] =	ssyncadd.tile.s32 @!p0 $0x1;
	_ =	shalt  }
.Lfunc_end2:
_tile_overlayer_lowered:
.L_overlay_start_2:
0x56: {  	(tag) =	ssettag $0x2  }
0x57: {  	s0 =	rddreg [dreg:$0x0];
	s2 =	stileid.u32  }
0x58: {  	s1 =	rddreg [dreg:$0x1];
	p0 =	sne.s32 s2, $0x0  }
0x59: {  	s3 =	rddreg [dreg:$0x2];
	[bflag:$0x3] =	sbarrier.arrive $0xFFFF;
	s2 =	simm.s32 @!p0 $0x1C03  }
0x5a: {  	[timem:s3], [sflag:s2] =	dma.local @!p0 [hbm:s0], s1  }
0x5b: {  	s0 =	simm.s32 @!p0 $0x3  }
0x5c: {  	_ =	swait.ge @!p0 [sflag:s0], s1  }
0x5d: {  	s1 =	ssub.s32 @!p0 $0x0, s1;
	[sflag:s0] =	ssyncset.done @!p0 $0x0  }
0x5e: {  	[sflag:s0] =	ssyncadd.s32 @!p0 s1  }
0x5f: {  	[bflag:$0x3] =	sbarrier.arrive $0xFFFF  }
0x60: {  	_ =	shalt  }

// kernel: kernel.16.cloned.1.call-start
scs
__scs_entry_jumppad:
0x0: {  	(pc) =	sbr.rel $0x88, $3  }
0x1: {  	(tag) =	ssettag $0x0;
	lr =	simm.s32 $0x1  }
0x2: {  	[smem:$0x3F92] =	sst lr;
	_ =	strace $0xD0000000  }
0x3: {  	_ = 	snop  }
0x4: {  	_ = 	snop  }
0x5: {  	_ = 	snop  }
0x6: {  	_ = 	snop  }
0x7: {  	_ = 	snop  }
__scs_overlays_trampoline_lowered:
0x8: {  	[smem:$0x3FA1] =	sst s0  }
0x9: {  	[smem:$0x3FA2] =	sst s1  }
0xa: {  	[smem:$0x3FA3] =	sst s2  }
0xb: {  	[smem:$0x3FA4] =	sst s3  }
0xc: {  	[smem:$0x3FA5] =	sst s4  }
0xd: {  	[smem:$0x3FA6] =	sst s5  }
0xe: {  	[smem:$0x3FA7] =	sst s6  }
0xf: {  	[smem:$0x3FA8] =	sst s7  }
0x10: {  	[smem:$0x3FA9] =	sst s8  }
0x11: {  	[smem:$0x3FAA] =	sst s9;
	s0 =	simm.s32 @!p0 $0x0  }
0x12: {  	s1 =	sld [smem:$0x3F90];
	s0 =	simm.s32 @p0 $0x1  }
0x13: {  	[smem:$0x3FAB] =	sst s0;
	s0 =	simm.s32 @!p1 $0x0  }
0x14: {  	s2 =	sld [smem:$0x3F8F];
	s0 =	simm.s32 @p1 $0x1  }
0x15: {  	[smem:$0x3FAC] =	sst s0;
	s0 =	simm.s32 @!p2 $0x0  }
0x16: {  	s3 =	sld [smem:$0x3FDB];
	s0 =	simm.s32 @p2 $0x1  }
0x17: {  	s4 =	simm.s32 $0x1BF5;
	[smem:$0x3FAE] =	sst s0  }
0x18: {  	s0 =	sld [smem:$0x3F91];
	_ =	swait.ge [sflag:s4], $0x0  }
0x19: {  	s7 =	sld [smem:$0x3F92]  }
0x1a: {  	s8 =	sadd.s32 $0xFFFFE003, lr  }
0x1b: {  	s9 =	sadd.s32 $0xFFFFFEF7, lr;
	s5 =	simm.s32 $0xFFFFFFFF;
	p2 =	slt.u32 s8, $0xFFFFF086  }
0x1c: {  	p1 =	slt.u32 s9, $0xF7A;
	s5 =	simm.s32 @!p2 $0x0  }
0x1d: {  	s5 =	simm.s32 @p1 $0x1;
	p0 =	seq.s32 s7, s2  }
0x1e: {  	s7 =	smul.u32 @!p0 $0xF7A, s2;
	p2 =	seq.s32 @!p0 s5, $0x0  }
0x1f: {  	s9 =	smul.u32 $0xF7A, s1;
	s8 =	simm.s32 @!p0 $0x1BF5;
	p2 =	por !p2, p0  }
0x20: {  	[sflag:s8] =	ssyncset.s32 @!p0 $0xFFFFF086;
	s6 =	sadd.s32 @!p0 s3, s7;
	s7 =	simm.s32 @!p0 $0x108  }
0x21: {  	s3 =	sadd.s32 s3, s9;
	s6 =	sadd.s32 @!p0 $0x88, s6;
	s7 =	simm.s32 @p2 $0x1082  }
0x22: {  	[simem:s7], [sflag:s8] =	dma.local @!p0 [hbm:s6], $0xF7A  }
0x23: {  	s9 =	sor.u32 $0xD0000000, s2;
	s6 =	simm.s32 $0x108;
	_ =	swait.ge @!p0 [sflag:s8], $0x0  }
0x24: {  	s3 =	sadd.s32 $0x88, s3;
	s6 =	simm.s32 @!p1 $0x1082;
	[sflag:s4] =	ssyncset.s32 $0xFFFFF086  }
0x25: {  	[simem:s6], [sflag:s4] =	dma.local [hbm:s3], $0xF7A  }
0x26: {  	[smem:$0x3F92] =	sst s1;
	(tag) =	ssettag s2;
	_ =	strace s9  }
0x27: {  	s1 =	sld [smem:$0x3FA2]  }
0x28: {  	s2 =	sld [smem:$0x3FA3]  }
0x29: {  	s4 =	sld [smem:$0x3FA5]  }
0x2a: {  	p0 =	seq.s32 s5, $0x0;
	s5 =	sld [smem:$0x3FA6]  }
0x2b: {  	s6 =	sld [smem:$0x3FA7]  }
0x2c: {  	s7 =	sld [smem:$0x3FA8]  }
0x2d: {  	s3 =	simm.s32 $0x108;
	s8 =	sld [smem:$0x3FA9]  }
0x2e: {  	s3 =	simm.s32 @!p0 $0x1082;
	s9 =	sld [smem:$0x3FAA]  }
0x2f: {  	lr =	sadd.s32 s0, s3;
	s0 =	sld [smem:$0x3FA1]  }
0x30: {  	s3 =	sld [smem:$0x3FA4]  }
0x31: {  	[smem:$0x3FAD] =	sst s10  }
0x32: {  	s10 =	sld [smem:$0x3FAB];
	_ =	sdelay $0x3  }
0x33: {  	p0 =	seq.s32 s10, $0x1;
	s10 =	sld [smem:$0x3FAD];
	_ =	sdelay $0x3  }
0x34: {  	[smem:$0x3FAD] =	sst s10  }
0x35: {  	s10 =	sld [smem:$0x3FAC];
	_ =	sdelay $0x3  }
0x36: {  	p1 =	seq.s32 s10, $0x1;
	s10 =	sld [smem:$0x3FAD];
	_ =	sdelay $0x3  }
0x37: {  	[smem:$0x3FAD] =	sst s10  }
0x38: {  	s10 =	sld [smem:$0x3FAE]  }
0x39: {  	_ = 	snop;
	(pc) =	sbr.ind lr, $3  }
0x3a: {  	_ = 	snop  }
0x3b: {  	_ = 	snop  }
0x3c: {  	p2 =	seq.s32 s10, $0x1;
	s10 =	sld [smem:$0x3FAD]  }
0x3d: {  	_ =	shalt  }
0x3e: {  	_ =	shalt  }
0x3f: {  	_ =	shalt  }
0x40: {  	_ =	shalt  }
0x41: {  	_ =	shalt  }
0x42: {  	_ =	shalt  }
0x43: {  	_ =	shalt  }
0x44: {  	_ =	shalt  }
0x45: {  	_ =	shalt  }
0x46: {  	_ =	shalt  }
0x47: {  	_ =	shalt  }
0x48: {  	_ =	shalt  }
0x49: {  	_ =	shalt  }
0x4a: {  	_ =	shalt  }
0x4b: {  	_ =	shalt  }
0x4c: {  	_ =	shalt  }
0x4d: {  	_ =	shalt  }
0x4e: {  	_ =	shalt  }
0x4f: {  	_ =	shalt  }
0x50: {  	_ =	shalt  }
0x51: {  	_ =	shalt  }
0x52: {  	_ =	shalt  }
0x53: {  	_ =	shalt  }
0x54: {  	_ =	shalt  }
0x55: {  	_ =	shalt  }
0x56: {  	_ =	shalt  }
0x57: {  	_ =	shalt  }
0x58: {  	_ =	shalt  }
0x59: {  	_ =	shalt  }
0x5a: {  	_ =	shalt  }
0x5b: {  	_ =	shalt  }
0x5c: {  	_ =	shalt  }
0x5d: {  	_ =	shalt  }
0x5e: {  	_ =	shalt  }
0x5f: {  	_ =	shalt  }
0x60: {  	_ =	shalt  }
0x61: {  	_ =	shalt  }
0x62: {  	_ =	shalt  }
0x63: {  	_ =	shalt  }
0x64: {  	_ =	shalt  }
0x65: {  	_ =	shalt  }
0x66: {  	_ =	shalt  }
0x67: {  	_ =	shalt  }
0x68: {  	_ =	shalt  }
0x69: {  	_ =	shalt  }
0x6a: {  	_ =	shalt  }
0x6b: {  	_ =	shalt  }
0x6c: {  	_ =	shalt  }
0x6d: {  	_ =	shalt  }
0x6e: {  	_ =	shalt  }
0x6f: {  	_ =	shalt  }
0x70: {  	_ =	shalt  }
0x71: {  	_ =	shalt  }
0x72: {  	_ =	shalt  }
0x73: {  	_ =	shalt  }
0x74: {  	_ =	shalt  }
0x75: {  	_ =	shalt  }
0x76: {  	_ =	shalt  }
0x77: {  	_ =	shalt  }
0x78: {  	_ =	shalt  }
0x79: {  	_ =	shalt  }
0x7a: {  	_ =	shalt  }
0x7b: {  	_ =	shalt  }
0x7c: {  	_ =	shalt  }
0x7d: {  	_ =	shalt  }
0x7e: {  	_ =	shalt  }
0x7f: {  	_ =	shalt  }
0x80: {  	_ =	shalt  }
0x81: {  	_ =	shalt  }
0x82: {  	_ =	shalt  }
0x83: {  	_ =	shalt  }
0x84: {  	_ =	shalt  }
0x85: {  	_ =	shalt  }
0x86: {  	_ =	shalt  }
0x87: {  	_ =	shalt  }
.Lfunc_end0:
.L_simem_size_0:
called_computation.2_lowered:
.L_overlay_start_0:
0x88: {  	s2 =	sld [smem:$0x3FD9]  }
0x89: {  	s3 =	sld [smem:$0x3FFE];
	_ =	sdelay $0x1  }
0x8a: {  	s1 =	srdreg.scid  }
0x8b: {  	s0 =	sand.u32 $0x1, s1  }
0x8c: {  	s17 =	sshll.u32 s0, $0xA;
	s2 =	sadd.s32 s3, s2  }
0x8d: {  	s2 =	sadd.s32 s2, s17  }
0x8e: {  	[smem:$0x3FB9] =	sst s2  }
0x8f: {  	_ = 	snop  }
0x90: {  	(tm) =	ssettm $0x1  }
0x91: {  	s18 =	sld [smem:$0x3FFB];
	_ =	sdelay $0x3  }
0x92: {  	_ =	strace s18  }
0x93: {  	s2 =	sld [smem:$0x3FFC];
	_ =	sdelay $0x3  }
0x94: {  	_ =	strace s2  }
0x95: {  	s2 =	sld [smem:$0x3FFD];
	_ =	sdelay $0x3  }
0x96: {  	_ =	strace s2  }
0x97: {  	_ =	strace $0x8FFFFFFF  }
0x98: {  	s19 =	sld [smem:$0x3FDB];
	_ =	sdelay $0x1  }
0x99: {  	s20 =	simm.s32 $_scs_section_size  }
0x9a: {  	s4 =	simm.s32 $_size__tile_overlayer_lowered;
	s5 =	simm.s32 $_tile_overlayer_lowered  }
0x9b: {  	s6 =	simm.s32 $0x1BFF;
	s21 =	sshll.u32 s5, $0x1;
	s3 =	sadd.s32 s20, s19  }
0x9c: {  	s22 =	simm.s32 $0x0;
	s4 =	sshll.u32 s4, $0x1;
	s5 =	sadd.s32 s21, s3  }
0x9d: {  	[timem:s22], [sflag:s6] =	dma.local [hbm:s5], s4  }
0x9e: {  	_ =	swait.ge [sflag:s6], s4  }
0x9f: {  	s4 =	ssub.s32 $0x0, s4;
	[sflag:s6] =	ssyncset.done $0x0  }
0xa0: {  	[sflag:s6] =	ssyncadd.s32 s4;
	_ =	sdelay $0x1  }
0xa1: {  	s23 =	simm.s32 $0x1B8B  }
0xa2: {  	_ =	swait.ge [sflag:s23], $0x1  }
0xa3: {  	[sflag:s23] =	ssyncset.done $0x0  }
0xa4: {  	[sflag:s23] =	ssyncadd.s32 $0xFFFFFFFF  }
0xa5: {  	s4 =	sld [smem:$0x0]  }
0xa6: {  	s5 =	sand.u32 $0xFFFFFFFE, s1  }
0xa7: {  	p0 =	sne.s32 s1, s5  }
0xa8: {  	s5 =	sshll.u32 @p0 s5, $0xE  }
0xa9: {  	s5 =	sadd.s32 @p0 $0x11B8D, s5;
	s6 =	sshll.u32 @p0 s4, $0x11  }
0xaa: {  	s5 =	sor.u32 @p0 s6, s5  }
0xab: {  	[sflag:s5] =	ssyncadd.remote.s32 @p0 $0x1;
	_ =	sdelay $0x1  }
0xac: {  	s5 =	simm.s32 @p0 $0x1B8D  }
0xad: {  	_ =	swait.eq @p0 [sflag:s5], $0x1  }
0xae: {  	[sflag:s5] =	ssyncadd.s32 @p0 $0xFFFFFFFF  }
0xaf: {  	s6 =	sshll.u32 @!p0 s1, $0xE  }
0xb0: {  	s6 =	sor.u32 @!p0 $0x4000, s6;
	s5 =	simm.s32 @!p0 $0x1B8D  }
0xb1: {  	s4 =	sshll.u32 @!p0 s4, $0x11;
	s6 =	sadd.s32 @!p0 $0x11B8D, s6;
	_ =	swait.eq @!p0 [sflag:s5], $0x1  }
0xb2: {  	s4 =	sor.u32 @!p0 s4, s6;
	[sflag:s5] =	ssyncadd.s32 @!p0 $0xFFFFFFFF  }
0xb3: {  	s25 =	simm.s32 $0x1B8E;
	s24 =	sld [smem:$0x3FFE];
	[sflag:s4] =	ssyncadd.remote.s32 @!p0 $0x1  }
0xb4: {  	s26 =	simm.s32 $execute0_lowered;
	[smem:$0x3FD2] =	sst s25  }
0xb5: {  	s5 =	sshll.u32 s26, $0x1;
	_ =	strace $0x8000004C;
	[dreg:$0x1] =	wrdreg $0xFFFFFFFF  }
0xb6: {  	s28 =	simm.s32 $_size_execute0_lowered;
	s3 =	sadd.s32 s3, s5;
	[dreg:$0x0] =	wrdreg $0x0  }
0xb7: {  	s5 =	sshll.u32 s28, $0x1;
	[dreg:$0x2] =	wrdreg s3  }
0xb8: {  	[dreg:$0x3] =	wrdreg s5  }
0xb9: {  	[dreg:$0x4] =	wrdreg $0xC0  }
0xba: {  	_ =	task [dreg:s22], $0x5FFFF  }
0xbb: {  	[dreg:$0x1] =	wrdreg $0xFFFFFFFF  }
0xbc: {  	[dreg:$0x0] =	wrdreg $0x60  }
0xbd: {  	[dreg:$0x2] =	wrdreg s24  }
0xbe: {  	[dreg:$0x3] =	wrdreg $0xB  }
0xbf: {  	_ =	task.clear_ibuf [dreg:s22], $0x4FFFF;
	_ =	strace $0x9000004C  }
0xc0: {  	s29 =	simm.s32 $0xB;
	_ =	strace $0x8000004E  }
0xc1: {  	_ =	swait.ge [sflag:s29], $0x1  }
0xc2: {  	[sflag:s29] =	ssyncadd.s32 $0xFFFFFFFF  }
0xc3: {  	_ =	strace $0x9000004E  }
0xc4: {  	_ =	sfence  }
0xc5: {  	s30 =	sld [smem:$0x0];
	_ =	sdelay $0x2  }
0xc6: {  	s31 =	sshll.u32 s1, $0xD;
	s1 =	sshrl.u32 s1, $0x2  }
0xc7: {  	s4 =	sand.u32 $0x4000, s31;
	s1 =	sadd.s32 s1, s30  }
0xc8: {  	s0 =	sor.u32 s4, s0;
	s1 =	sshll.u32 s1, $0x11  }
0xc9: {  	s0 =	sor.u32 s1, s0  }
0xca: {  	s0 =	sadd.s32 $0x8F2B, s0  }
0xcb: {  	[sflag:s0] =	ssyncadd.remote.s32 $0x1  }
0xcc: {  	_ =	sfence.sel $0xFFFF  }
0xcd: {  	[dreg:$0x0] =	wrdreg $0xFFFFFFFF;
	(pc) =	sbr.abs _section_cstart, $3  }
0xce: {  	[dreg:$0x1] =	wrdreg $0xFFFFFFFF  }
0xcf: {  	_ =	task.clear_ibuf [dreg:s22], $0x2FFFF;
	_ =	strace $0x9FFFFFFF  }
0xd0: {  	(tm) =	ssettm $0x7FFFFFFF  }
0xd1: {  	_ =	shalt  }
tec
execute0_lowered:
.L_overlay_start_1:
0x0: {  	(tag) =	ssettag $0x1  }
0x1: {  	s1 =	srdreg.scid  }
0x2: {  	s0 =	stileid.u32;
	s5 =	rddreg [dreg:$0x0];
	s2 =	simm.s32 $0x0  }
0x3: {  	s14 =	simm.s32 $0x20;
	s15 =	simm.s32 $0xE40;
	s16 =	simm.s32 $0x1  }
0x4: {  	s17 =	simm.s32 $0x2;
	s18 =	simm.s32 $0x620;
	s19 =	simm.s32 $0x1640  }
0x5: {  	s20 =	simm.s32 $0x1660;
	s10 =	sand.u32 $0x1, s1;
	s1 =	rddreg [dreg:$0x1]  }
0x6: {  	s21 =	simm.s32 $0x0;
	s3 =	sshll.u32 s0, $0x1;
	[smem:$0x7FF] =	sst s2  }
0x7: {  	s12 =	sadd.s32 $0xD8200, s5;
	s30 =	sshll.u32 s0, $0x9;
	s6 =	sor.u32 s10, s3  }
0x8: {  	_ =	strace $0x8000004D;
	s3 =	sadd.s32 $0x250C00, s5;
	s9 =	ssub.s32 $0x2, s10  }
0x9: {  	s31 =	sshll.u32 s10, $0x8;
	s4 =	smul.u32 $0xC8, s6;
	s7 =	sshll.u32 s6, $0x2  }
0xa: {  	s6 =	sshll.u32 s6, $0x8;
	s11 =	sshrl.u32 s9, $0x1;
	s7 =	sadd.s32 s7, s5  }
0xb: {  	s13 =	sadd.s32 s6, s5;
	s9 =	ssub.s32 s9, s11;
	s29 =	sadd.s32 s12, s6  }
0xc: {  	s12 =	sadd.s32 s30, s12;
	s8 =	sadd.s32 s4, s5;
	s4 =	sadd.s32 $0x18D600, s5  }
0xd: {  	s6 =	sadd.s32 $0x8A00, s7;
	s7 =	sadd.s32 $0x13C200, s13;
	s10 =	sadd.s32 $0x62000, s29  }
0xe: {  	s11 =	sadd.s32 s31, s12;
	s12 =	simm.s32 $0x3;
	s13 =	simm.s32 $0x640  }
0xf: {  	s5 =	sadd.s32 $0xD6800, s8;
	s8 =	smax.u32 s9, $0x1;
	s9 =	sadd.s32 $0x60000, s29  }
.LBB2_1:
0x10: {  	[tilespmem:s2], [sflag:$0x3] =	stream.linear.gather [hbm4b:s5+s2], $0x640, $0x38;
	[tilespmem:$0x1E60] =	vst v63  }
0x11: {  	_ =	swait.ge [sflag:s12], $0x640  }
0x12: {  	[sflag:s12] =	ssyncset.done $0x0  }
0x13: {  	[sflag:s12] =	ssyncadd.s32 $0xFFFFF9C0  }
0x14: {  	[tilespmem:s13], [sflag:$0x1] =	stream.indirect.gather [hbm4b:s3+s14], $0x40, s2, s14, $0xb8;
	[tilespmem:$0x1E60] =	vst v63  }
0x15: {  	_ = 	snop  }
0x16: {  	[tilespmem:s15], [sflag:$0x2] =	stream.indirect.gather [hbm4b:s3+s14], $0x40, s14, s14, $0xb8;
	[tilespmem:$0x1E60] =	vst v63  }
0x17: {  	_ =	swait.ge [sflag:s16], $0x800  }
0x18: {  	[sflag:s16] =	ssyncset.done $0x0  }
0x19: {  	s22 =	sadd.s32 $0x0, s11;
	[sflag:s16] =	ssyncadd.s32 $0xFFFFF800  }
0x1a: {  	[hbm4b:s22+s2] =	stream.linear.scatter [tilespmem:s13], [sflag:$0x3], $0x800, $0x38;
	[tilespmem:$0x1E60] =	vst v63  }
0x1b: {  	_ =	swait.ge [sflag:s12], $0x800  }
0x1c: {  	[sflag:s12] =	ssyncset.done $0x0  }
0x1d: {  	s23 =	simm.s32 $0x40;
	[sflag:s12] =	ssyncadd.s32 $0xFFFFF800  }
0x1e: {  	[tilespmem:s13], [sflag:$0x1] =	stream.indirect.gather [hbm4b:s3+s14], $0x40, s23, s14, $0xb8;
	[tilespmem:$0x1E60] =	vst v63  }
0x1f: {  	_ =	swait.ge [sflag:s17], $0x800  }
0x20: {  	[sflag:s17] =	ssyncset.done $0x0  }
0x21: {  	s22 =	sadd.s32 $0x2000, s22;
	[sflag:s17] =	ssyncadd.s32 $0xFFFFF800  }
0x22: {  	[hbm4b:s22+s2] =	stream.linear.scatter [tilespmem:s15], [sflag:$0x3], $0x800, $0x38;
	[tilespmem:$0x1E60] =	vst v63  }
0x23: {  	_ =	swait.ge [sflag:s12], $0x800  }
0x24: {  	s23 =	simm.s32 $0x20;
	s22 =	simm.s32 $0x4000;
	[sflag:s12] =	ssyncset.done $0x0  }
.LBB2_2:
0x25: {  	p0 =	sne.s32 s22, $0x5C000;
	[sflag:s12] =	ssyncadd.s32 $0xFFFFF800;
	s23 =	sadd.s32 $0x40, s23  }
0x26: {  	[tilespmem:s15], [sflag:$0x2] =	stream.indirect.gather [hbm4b:s3+s14], $0x40, s23, s14, $0xb8;
	[tilespmem:$0x1E60] =	vst v63  }
0x27: {  	s24 =	smov.u32 s22;
	s22 =	sadd.s32 $0x4000, s22;
	_ =	swait.ge [sflag:s16], $0x800  }
0x28: {  	[sflag:s16] =	ssyncset.done $0x0  }
0x29: {  	s24 =	sadd.s32 s24, s11;
	[sflag:s16] =	ssyncadd.s32 $0xFFFFF800  }
0x2a: {  	[hbm4b:s24+s2] =	stream.linear.scatter [tilespmem:s13], [sflag:$0x3], $0x800, $0x38;
	[tilespmem:$0x1E60] =	vst v63  }
0x2b: {  	_ =	swait.ge [sflag:s12], $0x800  }
0x2c: {  	[sflag:s12] =	ssyncset.done $0x0  }
0x2d: {  	s25 =	sadd.s32 $0x20, s23;
	[sflag:s12] =	ssyncadd.s32 $0xFFFFF800  }
0x2e: {  	[tilespmem:s13], [sflag:$0x1] =	stream.indirect.gather [hbm4b:s3+s14], $0x40, s25, s14, $0xb8;
	[tilespmem:$0x1E60] =	vst v63  }
0x2f: {  	_ =	swait.ge [sflag:s17], $0x800  }
.Ltmp0:
0x30: {  	[sflag:s17] =	ssyncset.done $0x0;
	(pc) =	sbr.rel @p0 .LBB2_2-.Ltmp0, $4  }
0x31: {  	s24 =	sadd.s32 $0x2000, s24;
	[sflag:s17] =	ssyncadd.s32 $0xFFFFF800  }
0x32: {  	[hbm4b:s24+s2] =	stream.linear.scatter [tilespmem:s15], [sflag:$0x3], $0x800, $0x38;
	[tilespmem:$0x1E60] =	vst v63  }
0x33: {  	_ =	swait.ge [sflag:s12], $0x800  }
0x34: {  	[sflag:s12] =	ssyncset.done $0x0  }
0x35: {  	[sflag:s12] =	ssyncadd.s32 $0xFFFFF800  }
0x36: {  	[tilespmem:s15], [sflag:$0x2] =	stream.indirect.gather [hbm4b:s3+s14], $0x40, s18, s14, $0xb8;
	[tilespmem:$0x1E60] =	vst v63  }
0x37: {  	_ =	swait.ge [sflag:s16], $0x800  }
0x38: {  	[sflag:s16] =	ssyncset.done $0x0  }
0x39: {  	[sflag:s16] =	ssyncadd.s32 $0xFFFFF800  }
0x3a: {  	[hbm4b:s9+s2] =	stream.linear.scatter [tilespmem:s13], [sflag:$0x3], $0x800, $0x38;
	[tilespmem:$0x1E60] =	vst v63  }
0x3b: {  	_ =	swait.ge [sflag:s12], $0x800  }
0x3c: {  	[sflag:s12] =	ssyncset.done $0x0  }
0x3d: {  	[sflag:s12] =	ssyncadd.s32 $0xFFFFF800  }
0x3e: {  	_ =	swait.ge [sflag:s17], $0x800  }
0x3f: {  	[sflag:s17] =	ssyncset.done $0x0  }
0x40: {  	[sflag:s17] =	ssyncadd.s32 $0xFFFFF800  }
0x41: {  	[hbm4b:s10+s2] =	stream.linear.scatter [tilespmem:s15], [sflag:$0x3], $0x800, $0x38;
	[tilespmem:$0x1E60] =	vst v63  }
0x42: {  	_ =	swait.ge [sflag:s12], $0x800  }
0x43: {  	[sflag:s12] =	ssyncset.done $0x0  }
0x44: {  	[sflag:s12] =	ssyncadd.s32 $0xFFFFF800  }
0x45: {  	[tilespmem:s19], [sflag:$0x3] =	stream.linear.gather [hbm4b:s6+s2], $0x20, $0x38;
	[tilespmem:$0x1E60] =	vst v63  }
0x46: {  	_ =	swait.ge [sflag:s12], $0x20  }
0x47: {  	[sflag:s12] =	ssyncset.done $0x0  }
0x48: {  	[sflag:s12] =	ssyncadd.s32 $0xFFFFFFE0  }
0x49: {  	[tilespmem:s20], [sflag:$0x1] =	stream.indirect.gather [hbm4b:s4+s14], $0x40, s19, s14, $0xb8;
	[tilespmem:$0x1E60] =	vst v63  }
0x4a: {  	s21 =	sadd.s32 $0x1, s21;
	_ =	swait.ge [sflag:s16], $0x800  }
0x4b: {  	p0 =	sne.s32 s21, s8;
	[sflag:s16] =	ssyncset.done $0x0  }
.Ltmp1:
0x4c: {  	[sflag:s16] =	ssyncadd.s32 $0xFFFFF800;
	(pc) =	sbr.rel @p0 .LBB2_1-.Ltmp1, $4  }
0x4d: {  	[hbm4b:s7+s2] =	stream.linear.scatter [tilespmem:s20], [sflag:$0x3], $0x800, $0x38;
	[tilespmem:$0x1E60] =	vst v63  }
0x4e: {  	_ =	swait.ge [sflag:s12], $0x800  }
0x4f: {  	[sflag:s12] =	ssyncset.done $0x0  }
0x50: {  	[sflag:s12] =	ssyncadd.s32 $0xFFFFF800  }
0x51: {  	_ =	sfence.sel $0x180000  }
0x52: {  	[bflag:$0x0] =	sbarrier.arrive $0xFFFF  }
0x53: {  	p0 =	sne.s32 s0, $0x0;
	_ =	strace $0x9000004D  }
0x54: {  	s0 =	sadd.s32 @!p0 $0x100000, s1;
	[bflag:$0x2] =	sbarrier.arrive $0xFFFF  }
0x55: {  	[sflag:s0] =	ssyncadd.tile.s32 @!p0 $0x1;
	_ =	shalt  }
.Lfunc_end2:
_tile_overlayer_lowered:
.L_overlay_start_2:
0x56: {  	(tag) =	ssettag $0x2  }
0x57: {  	s0 =	rddreg [dreg:$0x0];
	s2 =	stileid.u32  }
0x58: {  	s1 =	rddreg [dreg:$0x1];
	p0 =	sne.s32 s2, $0x0  }
0x59: {  	s3 =	rddreg [dreg:$0x2];
	[bflag:$0x3] =	sbarrier.arrive $0xFFFF;
	s2 =	simm.s32 @!p0 $0x1C03  }
0x5a: {  	[timem:s3], [sflag:s2] =	dma.local @!p0 [hbm:s0], s1  }
0x5b: {  	s0 =	simm.s32 @!p0 $0x3  }
0x5c: {  	_ =	swait.ge @!p0 [sflag:s0], s1  }
0x5d: {  	s1 =	ssub.s32 @!p0 $0x0, s1;
	[sflag:s0] =	ssyncset.done @!p0 $0x0  }
0x5e: {  	[sflag:s0] =	ssyncadd.s32 @!p0 s1  }
0x5f: {  	[bflag:$0x3] =	sbarrier.arrive $0xFFFF  }
0x60: {  	_ =	shalt  }

// kernel: kernel.19.cloned.1.call-start
scs
__scs_entry_jumppad:
0x0: {  	(pc) =	sbr.rel $0x88, $3  }
0x1: {  	(tag) =	ssettag $0x0;
	lr =	simm.s32 $0x1  }
0x2: {  	[smem:$0x3F92] =	sst lr;
	_ =	strace $0xD0000000  }
0x3: {  	_ = 	snop  }
0x4: {  	_ = 	snop  }
0x5: {  	_ = 	snop  }
0x6: {  	_ = 	snop  }
0x7: {  	_ = 	snop  }
__scs_overlays_trampoline_lowered:
0x8: {  	[smem:$0x3FA1] =	sst s0  }
0x9: {  	[smem:$0x3FA2] =	sst s1  }
0xa: {  	[smem:$0x3FA3] =	sst s2  }
0xb: {  	[smem:$0x3FA4] =	sst s3  }
0xc: {  	[smem:$0x3FA5] =	sst s4  }
0xd: {  	[smem:$0x3FA6] =	sst s5  }
0xe: {  	[smem:$0x3FA7] =	sst s6  }
0xf: {  	[smem:$0x3FA8] =	sst s7  }
0x10: {  	[smem:$0x3FA9] =	sst s8  }
0x11: {  	[smem:$0x3FAA] =	sst s9;
	s0 =	simm.s32 @!p0 $0x0  }
0x12: {  	s1 =	sld [smem:$0x3F90];
	s0 =	simm.s32 @p0 $0x1  }
0x13: {  	[smem:$0x3FAB] =	sst s0;
	s0 =	simm.s32 @!p1 $0x0  }
0x14: {  	s2 =	sld [smem:$0x3F8F];
	s0 =	simm.s32 @p1 $0x1  }
0x15: {  	[smem:$0x3FAC] =	sst s0;
	s0 =	simm.s32 @!p2 $0x0  }
0x16: {  	s3 =	sld [smem:$0x3FDB];
	s0 =	simm.s32 @p2 $0x1  }
0x17: {  	s4 =	simm.s32 $0x1BF5;
	[smem:$0x3FAE] =	sst s0  }
0x18: {  	s0 =	sld [smem:$0x3F91];
	_ =	swait.ge [sflag:s4], $0x0  }
0x19: {  	s7 =	sld [smem:$0x3F92]  }
0x1a: {  	s8 =	sadd.s32 $0xFFFFE003, lr  }
0x1b: {  	s9 =	sadd.s32 $0xFFFFFEF7, lr;
	s5 =	simm.s32 $0xFFFFFFFF;
	p2 =	slt.u32 s8, $0xFFFFF086  }
0x1c: {  	p1 =	slt.u32 s9, $0xF7A;
	s5 =	simm.s32 @!p2 $0x0  }
0x1d: {  	s5 =	simm.s32 @p1 $0x1;
	p0 =	seq.s32 s7, s2  }
0x1e: {  	s7 =	smul.u32 @!p0 $0xF7A, s2;
	p2 =	seq.s32 @!p0 s5, $0x0  }
0x1f: {  	s9 =	smul.u32 $0xF7A, s1;
	s8 =	simm.s32 @!p0 $0x1BF5;
	p2 =	por !p2, p0  }
0x20: {  	[sflag:s8] =	ssyncset.s32 @!p0 $0xFFFFF086;
	s6 =	sadd.s32 @!p0 s3, s7;
	s7 =	simm.s32 @!p0 $0x108  }
0x21: {  	s3 =	sadd.s32 s3, s9;
	s6 =	sadd.s32 @!p0 $0x88, s6;
	s7 =	simm.s32 @p2 $0x1082  }
0x22: {  	[simem:s7], [sflag:s8] =	dma.local @!p0 [hbm:s6], $0xF7A  }
0x23: {  	s9 =	sor.u32 $0xD0000000, s2;
	s6 =	simm.s32 $0x108;
	_ =	swait.ge @!p0 [sflag:s8], $0x0  }
0x24: {  	s3 =	sadd.s32 $0x88, s3;
	s6 =	simm.s32 @!p1 $0x1082;
	[sflag:s4] =	ssyncset.s32 $0xFFFFF086  }
0x25: {  	[simem:s6], [sflag:s4] =	dma.local [hbm:s3], $0xF7A  }
0x26: {  	[smem:$0x3F92] =	sst s1;
	(tag) =	ssettag s2;
	_ =	strace s9  }
0x27: {  	s1 =	sld [smem:$0x3FA2]  }
0x28: {  	s2 =	sld [smem:$0x3FA3]  }
0x29: {  	s4 =	sld [smem:$0x3FA5]  }
0x2a: {  	p0 =	seq.s32 s5, $0x0;
	s5 =	sld [smem:$0x3FA6]  }
0x2b: {  	s6 =	sld [smem:$0x3FA7]  }
0x2c: {  	s7 =	sld [smem:$0x3FA8]  }
0x2d: {  	s3 =	simm.s32 $0x108;
	s8 =	sld [smem:$0x3FA9]  }
0x2e: {  	s3 =	simm.s32 @!p0 $0x1082;
	s9 =	sld [smem:$0x3FAA]  }
0x2f: {  	lr =	sadd.s32 s0, s3;
	s0 =	sld [smem:$0x3FA1]  }
0x30: {  	s3 =	sld [smem:$0x3FA4]  }
0x31: {  	[smem:$0x3FAD] =	sst s10  }
0x32: {  	s10 =	sld [smem:$0x3FAB];
	_ =	sdelay $0x3  }
0x33: {  	p0 =	seq.s32 s10, $0x1;
	s10 =	sld [smem:$0x3FAD];
	_ =	sdelay $0x3  }
0x34: {  	[smem:$0x3FAD] =	sst s10  }
0x35: {  	s10 =	sld [smem:$0x3FAC];
	_ =	sdelay $0x3  }
0x36: {  	p1 =	seq.s32 s10, $0x1;
	s10 =	sld [smem:$0x3FAD];
	_ =	sdelay $0x3  }
0x37: {  	[smem:$0x3FAD] =	sst s10  }
0x38: {  	s10 =	sld [smem:$0x3FAE]  }
0x39: {  	_ = 	snop;
	(pc) =	sbr.ind lr, $3  }
0x3a: {  	_ = 	snop  }
0x3b: {  	_ = 	snop  }
0x3c: {  	p2 =	seq.s32 s10, $0x1;
	s10 =	sld [smem:$0x3FAD]  }
0x3d: {  	_ =	shalt  }
0x3e: {  	_ =	shalt  }
0x3f: {  	_ =	shalt  }
0x40: {  	_ =	shalt  }
0x41: {  	_ =	shalt  }
0x42: {  	_ =	shalt  }
0x43: {  	_ =	shalt  }
0x44: {  	_ =	shalt  }
0x45: {  	_ =	shalt  }
0x46: {  	_ =	shalt  }
0x47: {  	_ =	shalt  }
0x48: {  	_ =	shalt  }
0x49: {  	_ =	shalt  }
0x4a: {  	_ =	shalt  }
0x4b: {  	_ =	shalt  }
0x4c: {  	_ =	shalt  }
0x4d: {  	_ =	shalt  }
0x4e: {  	_ =	shalt  }
0x4f: {  	_ =	shalt  }
0x50: {  	_ =	shalt  }
0x51: {  	_ =	shalt  }
0x52: {  	_ =	shalt  }
0x53: {  	_ =	shalt  }
0x54: {  	_ =	shalt  }
0x55: {  	_ =	shalt  }
0x56: {  	_ =	shalt  }
0x57: {  	_ =	shalt  }
0x58: {  	_ =	shalt  }
0x59: {  	_ =	shalt  }
0x5a: {  	_ =	shalt  }
0x5b: {  	_ =	shalt  }
0x5c: {  	_ =	shalt  }
0x5d: {  	_ =	shalt  }
0x5e: {  	_ =	shalt  }
0x5f: {  	_ =	shalt  }
0x60: {  	_ =	shalt  }
0x61: {  	_ =	shalt  }
0x62: {  	_ =	shalt  }
0x63: {  	_ =	shalt  }
0x64: {  	_ =	shalt  }
0x65: {  	_ =	shalt  }
0x66: {  	_ =	shalt  }
0x67: {  	_ =	shalt  }
0x68: {  	_ =	shalt  }
0x69: {  	_ =	shalt  }
0x6a: {  	_ =	shalt  }
0x6b: {  	_ =	shalt  }
0x6c: {  	_ =	shalt  }
0x6d: {  	_ =	shalt  }
0x6e: {  	_ =	shalt  }
0x6f: {  	_ =	shalt  }
0x70: {  	_ =	shalt  }
0x71: {  	_ =	shalt  }
0x72: {  	_ =	shalt  }
0x73: {  	_ =	shalt  }
0x74: {  	_ =	shalt  }
0x75: {  	_ =	shalt  }
0x76: {  	_ =	shalt  }
0x77: {  	_ =	shalt  }
0x78: {  	_ =	shalt  }
0x79: {  	_ =	shalt  }
0x7a: {  	_ =	shalt  }
0x7b: {  	_ =	shalt  }
0x7c: {  	_ =	shalt  }
0x7d: {  	_ =	shalt  }
0x7e: {  	_ =	shalt  }
0x7f: {  	_ =	shalt  }
0x80: {  	_ =	shalt  }
0x81: {  	_ =	shalt  }
0x82: {  	_ =	shalt  }
0x83: {  	_ =	shalt  }
0x84: {  	_ =	shalt  }
0x85: {  	_ =	shalt  }
0x86: {  	_ =	shalt  }
0x87: {  	_ =	shalt  }
.Lfunc_end0:
.L_simem_size_0:
called_computation.3_lowered:
.L_overlay_start_0:
0x88: {  	s2 =	sld [smem:$0x3FD9]  }
0x89: {  	s3 =	sld [smem:$0x3FFE];
	_ =	sdelay $0x1  }
0x8a: {  	s1 =	srdreg.scid  }
0x8b: {  	s0 =	sand.u32 $0x1, s1  }
0x8c: {  	s17 =	sshll.u32 s0, $0xA;
	s2 =	sadd.s32 s3, s2  }
0x8d: {  	s2 =	sadd.s32 s2, s17  }
0x8e: {  	[smem:$0x3FB9] =	sst s2  }
0x8f: {  	_ = 	snop  }
0x90: {  	s18 =	sld [smem:$0x3FD0];
	(tm) =	ssettm $0x1  }
0x91: {  	s19 =	sld [smem:$0x3FFB];
	_ =	sdelay $0x3  }
0x92: {  	_ =	strace s19  }
0x93: {  	s2 =	sld [smem:$0x3FFC];
	_ =	sdelay $0x3  }
0x94: {  	_ =	strace s2  }
0x95: {  	s2 =	sld [smem:$0x3FFD];
	_ =	sdelay $0x3  }
0x96: {  	_ =	strace s2  }
0x97: {  	_ =	strace $0x8FFFFFFF  }
0x98: {  	s20 =	sld [smem:$0x3FDB];
	_ =	sdelay $0x1  }
0x99: {  	s4 =	simm.s32 $_scs_section_size  }
0x9a: {  	s5 =	simm.s32 $_size__tile_overlayer_lowered;
	s6 =	simm.s32 $_tile_overlayer_lowered  }
0x9b: {  	s7 =	simm.s32 $0x1BFF;
	s21 =	sshll.u32 s6, $0x1;
	s4 =	sadd.s32 s4, s20  }
0x9c: {  	s22 =	simm.s32 $0x0;
	s5 =	sshll.u32 s5, $0x1;
	s6 =	sadd.s32 s21, s4  }
0x9d: {  	[timem:s22], [sflag:s7] =	dma.local [hbm:s6], s5  }
0x9e: {  	_ =	swait.ge [sflag:s7], s5  }
0x9f: {  	s5 =	ssub.s32 $0x0, s5;
	[sflag:s7] =	ssyncset.done $0x0  }
0xa0: {  	[sflag:s7] =	ssyncadd.s32 s5;
	_ =	sdelay $0x1  }
0xa1: {  	s23 =	simm.s32 $0x1B8B  }
0xa2: {  	_ =	swait.ge [sflag:s23], $0x1  }
0xa3: {  	[sflag:s23] =	ssyncset.done $0x0  }
0xa4: {  	[sflag:s23] =	ssyncadd.s32 $0xFFFFFFFF  }
0xa5: {  	s5 =	sld [smem:$0x0]  }
0xa6: {  	s6 =	sand.u32 $0xFFFFFFFE, s1  }
0xa7: {  	p0 =	sne.s32 s1, s6  }
0xa8: {  	s6 =	sshll.u32 @p0 s6, $0xE  }
0xa9: {  	s6 =	sadd.s32 @p0 $0x11B8D, s6;
	s7 =	sshll.u32 @p0 s5, $0x11  }
0xaa: {  	s6 =	sor.u32 @p0 s7, s6  }
0xab: {  	[sflag:s6] =	ssyncadd.remote.s32 @p0 $0x1;
	_ =	sdelay $0x1  }
0xac: {  	s6 =	simm.s32 @p0 $0x1B8D  }
0xad: {  	_ =	swait.eq @p0 [sflag:s6], $0x1  }
0xae: {  	[sflag:s6] =	ssyncadd.s32 @p0 $0xFFFFFFFF  }
0xaf: {  	s7 =	sshll.u32 @!p0 s1, $0xE  }
0xb0: {  	s7 =	sor.u32 @!p0 $0x4000, s7;
	s6 =	simm.s32 @!p0 $0x1B8D  }
0xb1: {  	s5 =	sshll.u32 @!p0 s5, $0x11;
	s7 =	sadd.s32 @!p0 $0x11B8D, s7;
	_ =	swait.eq @!p0 [sflag:s6], $0x1  }
0xb2: {  	s5 =	sor.u32 @!p0 s5, s7;
	[sflag:s6] =	ssyncadd.s32 @!p0 $0xFFFFFFFF  }
0xb3: {  	s25 =	simm.s32 $0x1B8E;
	s24 =	sld [smem:$0x3FFE];
	[sflag:s5] =	ssyncadd.remote.s32 @!p0 $0x1  }
0xb4: {  	s26 =	simm.s32 $execute0_lowered;
	[smem:$0x3FD2] =	sst s25  }
0xb5: {  	s6 =	sshll.u32 s26, $0x1;
	_ =	strace $0x8000004F;
	[dreg:$0x1] =	wrdreg $0xFFFFFFFF  }
0xb6: {  	s28 =	simm.s32 $_size_execute0_lowered;
	s4 =	sadd.s32 s4, s6;
	[dreg:$0x0] =	wrdreg $0x0  }
0xb7: {  	s6 =	sshll.u32 s28, $0x1;
	[dreg:$0x2] =	wrdreg s4  }
0xb8: {  	[dreg:$0x3] =	wrdreg s6  }
0xb9: {  	[dreg:$0x4] =	wrdreg $0xC0  }
0xba: {  	_ =	task [dreg:s22], $0x5FFFF  }
0xbb: {  	[dreg:$0x1] =	wrdreg $0xFFFFFFFF  }
0xbc: {  	[dreg:$0x0] =	wrdreg $0x60  }
0xbd: {  	[dreg:$0x2] =	wrdreg s24  }
0xbe: {  	[dreg:$0x3] =	wrdreg s18  }
0xbf: {  	[dreg:$0x4] =	wrdreg $0xC  }
0xc0: {  	_ =	task.clear_ibuf [dreg:s22], $0x5FFFF;
	_ =	strace $0x9000004F  }
0xc1: {  	s29 =	simm.s32 $0xC;
	_ =	strace $0x80000051  }
0xc2: {  	_ =	swait.ge [sflag:s29], $0x1  }
0xc3: {  	[sflag:s29] =	ssyncadd.s32 $0xFFFFFFFF  }
0xc4: {  	_ =	strace $0x90000051  }
0xc5: {  	_ =	sfence  }
0xc6: {  	s30 =	sld [smem:$0x0];
	_ =	sdelay $0x2  }
0xc7: {  	s31 =	sshll.u32 s1, $0xD;
	s1 =	sshrl.u32 s1, $0x2  }
0xc8: {  	s4 =	sand.u32 $0x4000, s31;
	s1 =	sadd.s32 s1, s30  }
0xc9: {  	s0 =	sor.u32 s4, s0;
	s1 =	sshll.u32 s1, $0x11  }
0xca: {  	s0 =	sor.u32 s1, s0  }
0xcb: {  	s0 =	sadd.s32 $0x8F2B, s0  }
0xcc: {  	[sflag:s0] =	ssyncadd.remote.s32 $0x1  }
0xcd: {  	_ =	sfence.sel $0xFFFF  }
0xce: {  	[dreg:$0x0] =	wrdreg $0xFFFFFFFF;
	(pc) =	sbr.abs _section_cstart, $3  }
0xcf: {  	[dreg:$0x1] =	wrdreg $0xFFFFFFFF  }
0xd0: {  	_ =	task.clear_ibuf [dreg:s22], $0x2FFFF;
	_ =	strace $0x9FFFFFFF  }
0xd1: {  	(tm) =	ssettm $0x7FFFFFFF  }
tec
execute0_lowered:
.L_overlay_start_1:
0x0: {  	(tag) =	ssettag $0x1  }
0x1: {  	s5 =	rddreg [dreg:$0x0];
	s1 =	srdreg.scid  }
0x2: {  	s0 =	stileid.u32;
	s7 =	rddreg [dreg:$0x1]  }
0x3: {  	s2 =	simm.s32 $0x0;
	s15 =	simm.s32 $0xE40;
	s16 =	simm.s32 $0x1  }
0x4: {  	s17 =	simm.s32 $0x2;
	s18 =	simm.s32 $0x620;
	s19 =	simm.s32 $0x1640  }
0x5: {  	s20 =	simm.s32 $0x1660;
	s10 =	sand.u32 $0x1, s1;
	s1 =	rddreg [dreg:$0x2]  }
0x6: {  	s21 =	simm.s32 $0x0;
	s3 =	sshll.u32 s0, $0x1;
	[smem:$0x7FF] =	sst s2  }
0x7: {  	s13 =	sadd.s32 $0x314200, s5;
	s30 =	sshll.u32 s0, $0x9;
	s6 =	sor.u32 s10, s3  }
0x8: {  	_ =	strace $0x80000050;
	s3 =	sadd.s32 $0x250C00, s5;
	s9 =	ssub.s32 $0x2, s10  }
0x9: {  	s31 =	sshll.u32 s10, $0x8;
	s4 =	smul.u32 $0xC8, s6;
	s28 =	sshll.u32 s6, $0x2  }
0xa: {  	s12 =	sshrl.u32 s9, $0x1;
	s29 =	sshll.u32 s6, $0x8;
	s11 =	sadd.s32 s28, s5  }
0xb: {  	s9 =	ssub.s32 s9, s12;
	s14 =	sadd.s32 s13, s29;
	s7 =	sadd.s32 s7, s29  }
0xc: {  	s12 =	simm.s32 $0x3;
	s8 =	sadd.s32 s4, s5;
	s4 =	sadd.s32 $0x18D600, s5  }
0xd: {  	s6 =	sadd.s32 $0x8C00, s11;
	s11 =	sadd.s32 s30, s13;
	s10 =	sadd.s32 $0x62000, s14  }
0xe: {  	s13 =	simm.s32 $0x640;
	s5 =	sadd.s32 $0x13E200, s8;
	s8 =	smax.u32 s9, $0x1  }
0xf: {  	s9 =	sadd.s32 $0x60000, s14;
	s11 =	sadd.s32 s31, s11;
	s14 =	simm.s32 $0x20  }
.LBB2_1:
0x10: {  	[tilespmem:s2], [sflag:$0x3] =	stream.linear.gather [hbm4b:s5+s2], $0x640, $0x38;
	[tilespmem:$0x1E60] =	vst v63  }
0x11: {  	_ =	swait.ge [sflag:s12], $0x640  }
0x12: {  	[sflag:s12] =	ssyncset.done $0x0  }
0x13: {  	[sflag:s12] =	ssyncadd.s32 $0xFFFFF9C0  }
0x14: {  	[tilespmem:s13], [sflag:$0x1] =	stream.indirect.gather [hbm4b:s3+s14], $0x40, s2, s14, $0xb8;
	[tilespmem:$0x1E60] =	vst v63  }
0x15: {  	_ = 	snop  }
0x16: {  	[tilespmem:s15], [sflag:$0x2] =	stream.indirect.gather [hbm4b:s3+s14], $0x40, s14, s14, $0xb8;
	[tilespmem:$0x1E60] =	vst v63  }
0x17: {  	_ =	swait.ge [sflag:s16], $0x800  }
0x18: {  	[sflag:s16] =	ssyncset.done $0x0  }
0x19: {  	s22 =	sadd.s32 $0x0, s11;
	[sflag:s16] =	ssyncadd.s32 $0xFFFFF800  }
0x1a: {  	[hbm4b:s22+s2] =	stream.linear.scatter [tilespmem:s13], [sflag:$0x3], $0x800, $0x38;
	[tilespmem:$0x1E60] =	vst v63  }
0x1b: {  	_ =	swait.ge [sflag:s12], $0x800  }
0x1c: {  	[sflag:s12] =	ssyncset.done $0x0  }
0x1d: {  	s23 =	simm.s32 $0x40;
	[sflag:s12] =	ssyncadd.s32 $0xFFFFF800  }
0x1e: {  	[tilespmem:s13], [sflag:$0x1] =	stream.indirect.gather [hbm4b:s3+s14], $0x40, s23, s14, $0xb8;
	[tilespmem:$0x1E60] =	vst v63  }
0x1f: {  	_ =	swait.ge [sflag:s17], $0x800  }
0x20: {  	[sflag:s17] =	ssyncset.done $0x0  }
0x21: {  	s22 =	sadd.s32 $0x2000, s22;
	[sflag:s17] =	ssyncadd.s32 $0xFFFFF800  }
0x22: {  	[hbm4b:s22+s2] =	stream.linear.scatter [tilespmem:s15], [sflag:$0x3], $0x800, $0x38;
	[tilespmem:$0x1E60] =	vst v63  }
0x23: {  	_ =	swait.ge [sflag:s12], $0x800  }
0x24: {  	s23 =	simm.s32 $0x20;
	s22 =	simm.s32 $0x4000;
	[sflag:s12] =	ssyncset.done $0x0  }
.LBB2_2:
0x25: {  	p0 =	sne.s32 s22, $0x5C000;
	[sflag:s12] =	ssyncadd.s32 $0xFFFFF800;
	s23 =	sadd.s32 $0x40, s23  }
0x26: {  	[tilespmem:s15], [sflag:$0x2] =	stream.indirect.gather [hbm4b:s3+s14], $0x40, s23, s14, $0xb8;
	[tilespmem:$0x1E60] =	vst v63  }
0x27: {  	s24 =	smov.u32 s22;
	s22 =	sadd.s32 $0x4000, s22;
	_ =	swait.ge [sflag:s16], $0x800  }
0x28: {  	[sflag:s16] =	ssyncset.done $0x0  }
0x29: {  	s24 =	sadd.s32 s24, s11;
	[sflag:s16] =	ssyncadd.s32 $0xFFFFF800  }
0x2a: {  	[hbm4b:s24+s2] =	stream.linear.scatter [tilespmem:s13], [sflag:$0x3], $0x800, $0x38;
	[tilespmem:$0x1E60] =	vst v63  }
0x2b: {  	_ =	swait.ge [sflag:s12], $0x800  }
0x2c: {  	[sflag:s12] =	ssyncset.done $0x0  }
0x2d: {  	s25 =	sadd.s32 $0x20, s23;
	[sflag:s12] =	ssyncadd.s32 $0xFFFFF800  }
0x2e: {  	[tilespmem:s13], [sflag:$0x1] =	stream.indirect.gather [hbm4b:s3+s14], $0x40, s25, s14, $0xb8;
	[tilespmem:$0x1E60] =	vst v63  }
0x2f: {  	_ =	swait.ge [sflag:s17], $0x800  }
.Ltmp0:
0x30: {  	[sflag:s17] =	ssyncset.done $0x0;
	(pc) =	sbr.rel @p0 .LBB2_2-.Ltmp0, $4  }
0x31: {  	s24 =	sadd.s32 $0x2000, s24;
	[sflag:s17] =	ssyncadd.s32 $0xFFFFF800  }
0x32: {  	[hbm4b:s24+s2] =	stream.linear.scatter [tilespmem:s15], [sflag:$0x3], $0x800, $0x38;
	[tilespmem:$0x1E60] =	vst v63  }
0x33: {  	_ =	swait.ge [sflag:s12], $0x800  }
0x34: {  	[sflag:s12] =	ssyncset.done $0x0  }
0x35: {  	[sflag:s12] =	ssyncadd.s32 $0xFFFFF800  }
0x36: {  	[tilespmem:s15], [sflag:$0x2] =	stream.indirect.gather [hbm4b:s3+s14], $0x40, s18, s14, $0xb8;
	[tilespmem:$0x1E60] =	vst v63  }
0x37: {  	_ =	swait.ge [sflag:s16], $0x800  }
0x38: {  	[sflag:s16] =	ssyncset.done $0x0  }
0x39: {  	[sflag:s16] =	ssyncadd.s32 $0xFFFFF800  }
0x3a: {  	[hbm4b:s9+s2] =	stream.linear.scatter [tilespmem:s13], [sflag:$0x3], $0x800, $0x38;
	[tilespmem:$0x1E60] =	vst v63  }
0x3b: {  	_ =	swait.ge [sflag:s12], $0x800  }
0x3c: {  	[sflag:s12] =	ssyncset.done $0x0  }
0x3d: {  	[sflag:s12] =	ssyncadd.s32 $0xFFFFF800  }
0x3e: {  	_ =	swait.ge [sflag:s17], $0x800  }
0x3f: {  	[sflag:s17] =	ssyncset.done $0x0  }
0x40: {  	[sflag:s17] =	ssyncadd.s32 $0xFFFFF800  }
0x41: {  	[hbm4b:s10+s2] =	stream.linear.scatter [tilespmem:s15], [sflag:$0x3], $0x800, $0x38;
	[tilespmem:$0x1E60] =	vst v63  }
0x42: {  	_ =	swait.ge [sflag:s12], $0x800  }
0x43: {  	[sflag:s12] =	ssyncset.done $0x0  }
0x44: {  	[sflag:s12] =	ssyncadd.s32 $0xFFFFF800  }
0x45: {  	[tilespmem:s19], [sflag:$0x3] =	stream.linear.gather [hbm4b:s6+s2], $0x20, $0x38;
	[tilespmem:$0x1E60] =	vst v63  }
0x46: {  	_ =	swait.ge [sflag:s12], $0x20  }
0x47: {  	[sflag:s12] =	ssyncset.done $0x0  }
0x48: {  	[sflag:s12] =	ssyncadd.s32 $0xFFFFFFE0  }
0x49: {  	[tilespmem:s20], [sflag:$0x1] =	stream.indirect.gather [hbm4b:s4+s14], $0x40, s19, s14, $0xb8;
	[tilespmem:$0x1E60] =	vst v63  }
0x4a: {  	s21 =	sadd.s32 $0x1, s21;
	_ =	swait.ge [sflag:s16], $0x800  }
0x4b: {  	p0 =	sne.s32 s21, s8;
	[sflag:s16] =	ssyncset.done $0x0  }
.Ltmp1:
0x4c: {  	[sflag:s16] =	ssyncadd.s32 $0xFFFFF800;
	(pc) =	sbr.rel @p0 .LBB2_1-.Ltmp1, $4  }
0x4d: {  	[hbm4b:s7+s2] =	stream.linear.scatter [tilespmem:s20], [sflag:$0x3], $0x800, $0x38;
	[tilespmem:$0x1E60] =	vst v63  }
0x4e: {  	_ =	swait.ge [sflag:s12], $0x800  }
0x4f: {  	[sflag:s12] =	ssyncset.done $0x0  }
0x50: {  	[sflag:s12] =	ssyncadd.s32 $0xFFFFF800  }
0x51: {  	_ =	sfence.sel $0x180000  }
0x52: {  	[bflag:$0x0] =	sbarrier.arrive $0xFFFF  }
0x53: {  	p0 =	sne.s32 s0, $0x0;
	_ =	strace $0x90000050  }
0x54: {  	s0 =	sadd.s32 @!p0 $0x100000, s1;
	[bflag:$0x2] =	sbarrier.arrive $0xFFFF  }
0x55: {  	[sflag:s0] =	ssyncadd.tile.s32 @!p0 $0x1;
	_ =	shalt  }
.Lfunc_end2:
_tile_overlayer_lowered:
.L_overlay_start_2:
0x56: {  	(tag) =	ssettag $0x2  }
0x57: {  	s0 =	rddreg [dreg:$0x0];
	s2 =	stileid.u32  }
0x58: {  	s1 =	rddreg [dreg:$0x1];
	p0 =	sne.s32 s2, $0x0  }
0x59: {  	s3 =	rddreg [dreg:$0x2];
	[bflag:$0x3] =	sbarrier.arrive $0xFFFF;
	s2 =	simm.s32 @!p0 $0x1C03  }
0x5a: {  	[timem:s3], [sflag:s2] =	dma.local @!p0 [hbm:s0], s1  }
0x5b: {  	s0 =	simm.s32 @!p0 $0x3  }
0x5c: {  	_ =	swait.ge @!p0 [sflag:s0], s1  }
0x5d: {  	s1 =	ssub.s32 @!p0 $0x0, s1;
	[sflag:s0] =	ssyncset.done @!p0 $0x0  }
0x5e: {  	[sflag:s0] =	ssyncadd.s32 @!p0 s1  }
0x5f: {  	[bflag:$0x3] =	sbarrier.arrive $0xFFFF  }
0x60: {  	_ =	shalt  }

</sc_bundles>
